<compile_context>
chip_gen: v7x
topology: tpu7x:2x2x1
jax: 0.10.2.dev20260603
libtpu: 0.0.44.dev20260713+nightly
codegen_flags: <defaults>
</compile_context>

<pallas_src>
import functools

import jax
import jax.numpy as jnp
from jax import lax
from jax.experimental import pallas as pl
from jax.experimental.pallas import tpu as pltpu
from jax.experimental.pallas import tpu_sc as plsc

SCORE_THRESH = 0.05
NMS_THRESH = 0.5
MAX_DET = 100
L = 16
NT = 16
NEG = float("-inf")


def _make_nms(n_pad: int):
    per = n_pad // NT
    mesh = plsc.VectorSubcoreMesh(core_axis_name="c", subcore_axis_name="s", num_cores=1)

    @functools.partial(
        pl.kernel,
        mesh=mesh,
        compiler_params=pltpu.CompilerParams(needs_layout_passes=False),
        out_type=jax.ShapeDtypeStruct((MAX_DET * L,), jnp.float32),
        scratch_types=[
            pltpu.VMEM((per,), jnp.float32),
            pltpu.VMEM((per,), jnp.float32),
            pltpu.VMEM((per,), jnp.float32),
            pltpu.VMEM((per,), jnp.float32),
            pltpu.VMEM((per,), jnp.float32),
            pltpu.VMEM((per,), jnp.float32),
            pltpu.VMEM((L,), jnp.float32),
            pltpu.VMEM((NT * L,), jnp.float32),
            pltpu.VMEM((MAX_DET * L,), jnp.float32),
            pltpu.VMEM_SHARED((2 * NT * L,), jnp.float32),
            pltpu.SemaphoreType.DMA,
        ],
    )
    def nms(x1_hbm, y1_hbm, x2_hbm, y2_hbm, sc_hbm, out_hbm,
            x1v, y1v, x2v, y2v, sv, areav, candv, allv, outv, shared, sem):
        cid = lax.axis_index("c")
        sid = lax.axis_index("s")
        base = sid * per

        cps = [pltpu.make_async_copy(src.at[pl.ds(base, per)], dst, sem)
               for src, dst in ((x1_hbm, x1v), (y1_hbm, y1v), (x2_hbm, x2v),
                                (y2_hbm, y2v), (sc_hbm, sv))]
        for cp in cps:
            cp.start()
        for cp in cps:
            cp.wait()

        lane = lax.iota(jnp.int32, L)

        @plsc.parallel_loop(0, per, step=L, unroll=4)
        def _prep(o):
            sl = pl.ds(o, L)
            a = (x2v[sl] - x1v[sl]) * (y2v[sl] - y1v[sl])
            areav[sl] = a
            s = sv[sl]
            sv[sl] = jnp.where(s > SCORE_THRESH, s, NEG)

        big = jnp.int32(2 ** 30)

        def fused_pass(wx1, wy1, wx2, wy2):
            warea = (wx2 - wx1) * (wy2 - wy1)

            mv0 = jnp.full((L,), NEG, jnp.float32)
            mi0 = jnp.zeros((L,), jnp.int32)

            @plsc.parallel_loop(0, per, step=L, unroll=3, carry=(mv0, mi0))
            def body(o, carry):
                mv, mi = carry
                sl = pl.ds(o, L)
                bx1 = x1v[sl]
                by1 = y1v[sl]
                bx2 = x2v[sl]
                by2 = y2v[sl]
                ltx = jnp.maximum(bx1, wx1)
                lty = jnp.maximum(by1, wy1)
                rbx = jnp.minimum(bx2, wx2)
                rby = jnp.minimum(by2, wy2)
                w = jnp.maximum(rbx - ltx, 0.0)
                h = jnp.maximum(rby - lty, 0.0)
                inter = w * h
                iou = inter / (areav[sl] + warea - inter + 1e-9)
                ns = jnp.where(iou > NMS_THRESH, NEG, sv[sl])
                sv[sl] = ns
                gt = ns > mv
                mv = jnp.where(gt, ns, mv)
                mi = jnp.where(gt, jnp.full((L,), o, jnp.int32), mi)
                return (mv, mi)

            mv, mi = body
            m = jnp.max(mv)
            cand = jnp.where(mv == m, mi + lane, big)
            li = jnp.min(cand)
            return m, li

        m0, li0 = fused_pass(
            jnp.full((L,), 1e9, jnp.float32),
            jnp.full((L,), 1e9, jnp.float32),
            jnp.full((L,), -1e9, jnp.float32),
            jnp.full((L,), -1e9, jnp.float32),
        )

        def round_body(i, carry):
            m, li = carry
            liv = jnp.full((L,), li, jnp.int32)
            cx1 = plsc.load_gather(x1v, [liv])
            cy1 = plsc.load_gather(y1v, [liv])
            cx2 = plsc.load_gather(x2v, [liv])
            cy2 = plsc.load_gather(y2v, [liv])
            mvv = jnp.full((L,), m, jnp.float32)
            row = jnp.where(lane == 0, mvv,
                  jnp.where(lane == 1, cx1,
                  jnp.where(lane == 2, cy1,
                  jnp.where(lane == 3, cx2,
                  jnp.where(lane == 4, cy2, jnp.float32(0.0))))))
            candv[...] = row
            p = lax.rem(i, 2) * (NT * L)
            pltpu.sync_copy(candv, shared.at[pl.ds(p + sid * L, L)])
            plsc.subcore_barrier()
            pltpu.sync_copy(shared.at[pl.ds(p, NT * L)], allv)

            vals = plsc.load_gather(allv, [lane * L])
            gm = jnp.max(vals)
            t = plsc.all_reduce_ffs(vals == gm)
            tb = jnp.broadcast_to(t, (L,)).astype(jnp.int32) * L
            wx1 = plsc.load_gather(allv, [tb + 1])
            wy1 = plsc.load_gather(allv, [tb + 2])
            wx2 = plsc.load_gather(allv, [tb + 3])
            wy2 = plsc.load_gather(allv, [tb + 4])

            valid = gm > NEG
            gmv = jnp.full((L,), gm, jnp.float32)
            orow = jnp.where(lane == 0, wx1,
                   jnp.where(lane == 1, wy1,
                   jnp.where(lane == 2, wx2,
                   jnp.where(lane == 3, wy2,
                   jnp.where(lane == 4, gmv, jnp.float32(0.0))))))
            orow = jnp.where((lane < 5) & valid, orow, jnp.float32(0.0))
            outv[pl.ds(i * L, L)] = orow

            return fused_pass(wx1, wy1, wx2, wy2)

        lax.fori_loop(0, MAX_DET, round_body, (m0, li0))

        @pl.when(jnp.logical_and(cid == 0, sid == 0))
        def _():
            pltpu.sync_copy(outv, out_hbm)

    return nms


def kernel(boxes, scores):
    n = boxes.shape[0]
    n_pad = ((n + NT * L - 1) // (NT * L)) * (NT * L)
    x1 = jnp.zeros((n_pad,), jnp.float32).at[:n].set(boxes[:, 0])
    y1 = jnp.zeros((n_pad,), jnp.float32).at[:n].set(boxes[:, 1])
    x2 = jnp.zeros((n_pad,), jnp.float32).at[:n].set(boxes[:, 2])
    y2 = jnp.zeros((n_pad,), jnp.float32).at[:n].set(boxes[:, 3])
    sc = jnp.zeros((n_pad,), jnp.float32).at[:n].set(scores)
    out = _make_nms(n_pad)(x1, y1, x2, y2, sc)
    return out.reshape(MAX_DET, L)[:, :5]

# --- scband reference (transcript-rebuilt; emitter-appended) ---
"""Pipeline reference for scband-faster-rcnn-42228118454618 (READ-ONLY COPY).

The authoritative reference and input builder live on the scoring server;
editing this copy changes nothing except your own understanding.
"""

import jax, jax.numpy as jnp
import numpy as np

N = 20000
SCORE_THRESH = 0.05
NMS_THRESH = 0.5
MAX_DET = 100


def setup_inputs(seed: int = 0) -> dict:
    key = jax.random.key(seed)
    k1, k2, k3 = jax.random.split(key, 3)
    xy = jax.random.uniform(k1, (N, 2), dtype=jnp.float32) * 1200.0
    wh = jax.random.uniform(k2, (N, 2), dtype=jnp.float32) * 120.0 + 1.0
    boxes = jnp.concatenate([xy, xy + wh], axis=1)
    scores = jax.random.uniform(k3, (N,), dtype=jnp.float32)
    return {"boxes": boxes, "scores": scores}


def _nms_indices(boxes, scores):
    # greedy NMS as in torchvision.ops.nms used by RoIHeads postprocess
    s = jnp.where(scores > SCORE_THRESH, scores, -jnp.inf)
    areas = (boxes[:, 2] - boxes[:, 0]) * (boxes[:, 3] - boxes[:, 1])

    def body(i, carry):
        s, keep = carry
        idx = jnp.argmax(s).astype(jnp.int32)
        valid = s[idx] > -jnp.inf
        keep = keep.at[i].set(jnp.where(valid, idx, jnp.int32(-1)))
        b = boxes[idx]
        area_b = (b[2] - b[0]) * (b[3] - b[1])
        lt = jnp.maximum(boxes[:, :2], b[:2])
        rb = jnp.minimum(boxes[:, 2:], b[2:])
        whc = jnp.clip(rb - lt, 0.0)
        inter = whc[:, 0] * whc[:, 1]
        iou = inter / (areas + area_b - inter + 1e-9)
        suppress = iou > NMS_THRESH
        s = jnp.where(suppress & valid, -jnp.inf, s)
        s = s.at[idx].set(-jnp.inf)
        return (s, keep)

    keep0 = jnp.full((MAX_DET,), -1, dtype=jnp.int32)
    _, keep = jax.lax.fori_loop(0, MAX_DET, body, (s, keep0))
    return keep


def reference(boxes, scores):
    # NMS index selection is non-differentiable (as in torchvision); gradients
    # would flow only through the gather, matching torch semantics.
    keep = _nms_indices(jax.lax.stop_gradient(boxes), jax.lax.stop_gradient(scores))
    valid = (keep >= 0)
    safe_keep = jnp.where(valid, keep, 0)
    sel_boxes = jnp.take(boxes, safe_keep, axis=0) * valid[:, None].astype(boxes.dtype)
    sel_scores = jnp.take(scores, safe_keep, axis=0) * valid.astype(scores.dtype)
    return jnp.concatenate([sel_boxes, sel_scores[:, None]], axis=1)

if __name__ == "__main__":
    import jax
    _d = setup_inputs()
    print(jax.jit(kernel)(*tuple(_d.values())))

</pallas_src>

<mosaic_0001>
#map = affine_map<(d0, d1) -> (0)>
module attributes {stable_mosaic.version = 14 : i64} {
  func.func @nms(%arg0: i32, %arg1: i32, %arg2: memref<20224xf32, #tpu.memory_space<hbm>>, %arg3: memref<20224xf32, #tpu.memory_space<hbm>>, %arg4: memref<20224xf32, #tpu.memory_space<hbm>>, %arg5: memref<20224xf32, #tpu.memory_space<hbm>>, %arg6: memref<20224xf32, #tpu.memory_space<hbm>>, %arg7: memref<1600xf32, #tpu.memory_space<hbm>>, %arg8: memref<1264xf32, #tpu.memory_space<vmem>>, %arg9: memref<1264xf32, #tpu.memory_space<vmem>>, %arg10: memref<1264xf32, #tpu.memory_space<vmem>>, %arg11: memref<1264xf32, #tpu.memory_space<vmem>>, %arg12: memref<1264xf32, #tpu.memory_space<vmem>>, %arg13: memref<1264xf32, #tpu.memory_space<vmem>>, %arg14: memref<16xf32, #tpu.memory_space<vmem>>, %arg15: memref<256xf32, #tpu.memory_space<vmem>>, %arg16: memref<1600xf32, #tpu.memory_space<vmem>>, %arg17: memref<512xf32, #tpu.memory_space<vmem_shared>>, %arg18: memref<!tpu.dma_semaphore, #tpu.memory_space<semaphore_mem>>) attributes {dimension_semantics = [#tpu.dimension_semantics<core_parallel>, #tpu.dimension_semantics<subcore_parallel>], iteration_bounds = array<i64: 1, 16>, scalar_prefetch = 0 : i64, scratch_operands = 11 : i64, tpu.core_type = #tpu.core_type<sc_vector_subcore>, window_params = [{transform_indices = #map}, {transform_indices = #map}, {transform_indices = #map}, {transform_indices = #map}, {transform_indices = #map}, {transform_indices = #map}]} {
    %mul3A = arith.constant 1264 : i32
    %mul3A_0 = arith.muli %arg1, %mul3A : i32
    %dma_start3A = tpu.memref_slice %arg2[%mul3A_0] : memref<20224xf32, #tpu.memory_space<hbm>> -> memref<1264xf32, #tpu.memory_space<hbm>>
    %dma_start3A_1 = tpu.memref_slice %arg2[%mul3A_0] : memref<20224xf32, #tpu.memory_space<hbm>> -> memref<1264xf32, #tpu.memory_space<hbm>>
    tpu.enqueue_dma source(%dma_start3A_1 : memref<1264xf32, #tpu.memory_space<hbm>>) target(%arg8 : memref<1264xf32, #tpu.memory_space<vmem>>) target_semaphore(%arg18 : memref<!tpu.dma_semaphore, #tpu.memory_space<semaphore_mem>>)
    %dma_start3A_2 = tpu.memref_slice %arg3[%mul3A_0] : memref<20224xf32, #tpu.memory_space<hbm>> -> memref<1264xf32, #tpu.memory_space<hbm>>
    %dma_start3A_3 = tpu.memref_slice %arg3[%mul3A_0] : memref<20224xf32, #tpu.memory_space<hbm>> -> memref<1264xf32, #tpu.memory_space<hbm>>
    tpu.enqueue_dma source(%dma_start3A_3 : memref<1264xf32, #tpu.memory_space<hbm>>) target(%arg9 : memref<1264xf32, #tpu.memory_space<vmem>>) target_semaphore(%arg18 : memref<!tpu.dma_semaphore, #tpu.memory_space<semaphore_mem>>)
    %dma_start3A_4 = tpu.memref_slice %arg4[%mul3A_0] : memref<20224xf32, #tpu.memory_space<hbm>> -> memref<1264xf32, #tpu.memory_space<hbm>>
    %dma_start3A_5 = tpu.memref_slice %arg4[%mul3A_0] : memref<20224xf32, #tpu.memory_space<hbm>> -> memref<1264xf32, #tpu.memory_space<hbm>>
    tpu.enqueue_dma source(%dma_start3A_5 : memref<1264xf32, #tpu.memory_space<hbm>>) target(%arg10 : memref<1264xf32, #tpu.memory_space<vmem>>) target_semaphore(%arg18 : memref<!tpu.dma_semaphore, #tpu.memory_space<semaphore_mem>>)
    %dma_start3A_6 = tpu.memref_slice %arg5[%mul3A_0] : memref<20224xf32, #tpu.memory_space<hbm>> -> memref<1264xf32, #tpu.memory_space<hbm>>
    %dma_start3A_7 = tpu.memref_slice %arg5[%mul3A_0] : memref<20224xf32, #tpu.memory_space<hbm>> -> memref<1264xf32, #tpu.memory_space<hbm>>
    tpu.enqueue_dma source(%dma_start3A_7 : memref<1264xf32, #tpu.memory_space<hbm>>) target(%arg11 : memref<1264xf32, #tpu.memory_space<vmem>>) target_semaphore(%arg18 : memref<!tpu.dma_semaphore, #tpu.memory_space<semaphore_mem>>)
    %dma_start3A_8 = tpu.memref_slice %arg6[%mul3A_0] : memref<20224xf32, #tpu.memory_space<hbm>> -> memref<1264xf32, #tpu.memory_space<hbm>>
    %dma_start3A_9 = tpu.memref_slice %arg6[%mul3A_0] : memref<20224xf32, #tpu.memory_space<hbm>> -> memref<1264xf32, #tpu.memory_space<hbm>>
    tpu.enqueue_dma source(%dma_start3A_9 : memref<1264xf32, #tpu.memory_space<hbm>>) target(%arg12 : memref<1264xf32, #tpu.memory_space<vmem>>) target_semaphore(%arg18 : memref<!tpu.dma_semaphore, #tpu.memory_space<semaphore_mem>>)
    %dma_wait3A = tpu.memref_slice %arg2[%mul3A_0] : memref<20224xf32, #tpu.memory_space<hbm>> -> memref<1264xf32, #tpu.memory_space<hbm>>
    %dma_wait3A_10 = tpu.memref_slice %arg2[%mul3A_0] : memref<20224xf32, #tpu.memory_space<hbm>> -> memref<1264xf32, #tpu.memory_space<hbm>>
    tpu.wait_dma2 semaphore(%arg18 : memref<!tpu.dma_semaphore, #tpu.memory_space<semaphore_mem>>) src(%dma_wait3A_10 : memref<1264xf32, #tpu.memory_space<hbm>>) dst(%arg8 : memref<1264xf32, #tpu.memory_space<vmem>>)
    %dma_wait3A_11 = tpu.memref_slice %arg3[%mul3A_0] : memref<20224xf32, #tpu.memory_space<hbm>> -> memref<1264xf32, #tpu.memory_space<hbm>>
    %dma_wait3A_12 = tpu.memref_slice %arg3[%mul3A_0] : memref<20224xf32, #tpu.memory_space<hbm>> -> memref<1264xf32, #tpu.memory_space<hbm>>
    tpu.wait_dma2 semaphore(%arg18 : memref<!tpu.dma_semaphore, #tpu.memory_space<semaphore_mem>>) src(%dma_wait3A_12 : memref<1264xf32, #tpu.memory_space<hbm>>) dst(%arg9 : memref<1264xf32, #tpu.memory_space<vmem>>)
    %dma_wait3A_13 = tpu.memref_slice %arg4[%mul3A_0] : memref<20224xf32, #tpu.memory_space<hbm>> -> memref<1264xf32, #tpu.memory_space<hbm>>
    %dma_wait3A_14 = tpu.memref_slice %arg4[%mul3A_0] : memref<20224xf32, #tpu.memory_space<hbm>> -> memref<1264xf32, #tpu.memory_space<hbm>>
    tpu.wait_dma2 semaphore(%arg18 : memref<!tpu.dma_semaphore, #tpu.memory_space<semaphore_mem>>) src(%dma_wait3A_14 : memref<1264xf32, #tpu.memory_space<hbm>>) dst(%arg10 : memref<1264xf32, #tpu.memory_space<vmem>>)
    %dma_wait3A_15 = tpu.memref_slice %arg5[%mul3A_0] : memref<20224xf32, #tpu.memory_space<hbm>> -> memref<1264xf32, #tpu.memory_space<hbm>>
    %dma_wait3A_16 = tpu.memref_slice %arg5[%mul3A_0] : memref<20224xf32, #tpu.memory_space<hbm>> -> memref<1264xf32, #tpu.memory_space<hbm>>
    tpu.wait_dma2 semaphore(%arg18 : memref<!tpu.dma_semaphore, #tpu.memory_space<semaphore_mem>>) src(%dma_wait3A_16 : memref<1264xf32, #tpu.memory_space<hbm>>) dst(%arg11 : memref<1264xf32, #tpu.memory_space<vmem>>)
    %dma_wait3A_17 = tpu.memref_slice %arg6[%mul3A_0] : memref<20224xf32, #tpu.memory_space<hbm>> -> memref<1264xf32, #tpu.memory_space<hbm>>
    %dma_wait3A_18 = tpu.memref_slice %arg6[%mul3A_0] : memref<20224xf32, #tpu.memory_space<hbm>> -> memref<1264xf32, #tpu.memory_space<hbm>>
    tpu.wait_dma2 semaphore(%arg18 : memref<!tpu.dma_semaphore, #tpu.memory_space<semaphore_mem>>) src(%dma_wait3A_18 : memref<1264xf32, #tpu.memory_space<hbm>>) dst(%arg12 : memref<1264xf32, #tpu.memory_space<vmem>>)
    %iota3A = tpu.iota {dimensions = array<i32: 0>} : vector<16xi32>
    %parallel_loop3A = arith.constant 0 : i32
    %parallel_loop3A_19 = arith.constant 1264 : i32
    %parallel_loop3A_20 = arith.constant 16 : i32
    scf.for %parallel_loop3A_61 = %parallel_loop3A to %parallel_loop3A_19 step %parallel_loop3A_20  : i32 {
      %parallel_loop3A_62 = arith.index_cast %parallel_loop3A_61 : i32 to index
      %parallel_loop3A_63 = tpu.vector_load %arg10[%parallel_loop3A_62] {strides = array<i32>} : memref<1264xf32, #tpu.memory_space<vmem>>, vector<16xf32>,
      %parallel_loop3A_64 = arith.index_cast %parallel_loop3A_61 : i32 to index
      %parallel_loop3A_65 = tpu.vector_load %arg8[%parallel_loop3A_64] {strides = array<i32>} : memref<1264xf32, #tpu.memory_space<vmem>>, vector<16xf32>,
      %parallel_loop3A_66 = arith.subf %parallel_loop3A_63, %parallel_loop3A_65 : vector<16xf32>
      %parallel_loop3A_67 = arith.index_cast %parallel_loop3A_61 : i32 to index
      %parallel_loop3A_68 = tpu.vector_load %arg11[%parallel_loop3A_67] {strides = array<i32>} : memref<1264xf32, #tpu.memory_space<vmem>>, vector<16xf32>,
      %parallel_loop3A_69 = arith.index_cast %parallel_loop3A_61 : i32 to index
      %parallel_loop3A_70 = tpu.vector_load %arg9[%parallel_loop3A_69] {strides = array<i32>} : memref<1264xf32, #tpu.memory_space<vmem>>, vector<16xf32>,
      %parallel_loop3A_71 = arith.subf %parallel_loop3A_68, %parallel_loop3A_70 : vector<16xf32>
      %parallel_loop3A_72 = arith.mulf %parallel_loop3A_66, %parallel_loop3A_71 : vector<16xf32>
      %parallel_loop3A_73 = arith.index_cast %parallel_loop3A_61 : i32 to index
      %parallel_loop3A_74 = tpu.vector_load %arg13[%parallel_loop3A_73] {strides = array<i32>} : memref<1264xf32, #tpu.memory_space<vmem>>, vector<16xf32>,
      tpu.vector_store %arg13[%parallel_loop3A_73], %parallel_loop3A_72 {strides = array<i32>} : memref<1264xf32, #tpu.memory_space<vmem>>, vector<16xf32>,
      %parallel_loop3A_75 = arith.index_cast %parallel_loop3A_61 : i32 to index
      %parallel_loop3A_76 = tpu.vector_load %arg12[%parallel_loop3A_75] {strides = array<i32>} : memref<1264xf32, #tpu.memory_space<vmem>>, vector<16xf32>,
      %parallel_loop3A_77 = arith.constant 5.000000e-02 : f32
      %parallel_loop3A_78 = vector.broadcast %parallel_loop3A_77 : f32 to vector<16xf32>
      %parallel_loop3A_79 = arith.cmpf ogt, %parallel_loop3A_76, %parallel_loop3A_78 : vector<16xf32>
      %parallel_loop3A_80 = arith.constant 0xFF800000 : f32
      %parallel_loop3A_81 = vector.broadcast %parallel_loop3A_80 : f32 to vector<16xf32>
      %parallel_loop3A_82 = arith.select %parallel_loop3A_79, %parallel_loop3A_76, %parallel_loop3A_81 : vector<16xi1>, vector<16xf32>
      %parallel_loop3A_83 = arith.index_cast %parallel_loop3A_61 : i32 to index
      %parallel_loop3A_84 = tpu.vector_load %arg12[%parallel_loop3A_83] {strides = array<i32>} : memref<1264xf32, #tpu.memory_space<vmem>>, vector<16xf32>,
      tpu.vector_store %arg12[%parallel_loop3A_83], %parallel_loop3A_82 {strides = array<i32>} : memref<1264xf32, #tpu.memory_space<vmem>>, vector<16xf32>,
    } {sc.loop_unroll_factor = 4 : i64, sc.parallel_access}
    %broadcast_in_dim3A = arith.constant 1.000000e+09 : f32
    %broadcast_in_dim3A_21 = vector.broadcast %broadcast_in_dim3A : f32 to vector<16xf32>
    %broadcast_in_dim3A_22 = arith.constant 1.000000e+09 : f32
    %broadcast_in_dim3A_23 = vector.broadcast %broadcast_in_dim3A_22 : f32 to vector<16xf32>
    %broadcast_in_dim3A_24 = arith.constant -1.000000e+09 : f32
    %broadcast_in_dim3A_25 = vector.broadcast %broadcast_in_dim3A_24 : f32 to vector<16xf32>
    %broadcast_in_dim3A_26 = arith.constant -1.000000e+09 : f32
    %broadcast_in_dim3A_27 = vector.broadcast %broadcast_in_dim3A_26 : f32 to vector<16xf32>
    %sub3A = arith.subf %broadcast_in_dim3A_25, %broadcast_in_dim3A_21 : vector<16xf32>
    %sub3A_28 = arith.subf %broadcast_in_dim3A_27, %broadcast_in_dim3A_23 : vector<16xf32>
    %mul3A_29 = arith.mulf %sub3A, %sub3A_28 : vector<16xf32>
    %broadcast_in_dim3A_30 = arith.constant 0xFF800000 : f32
    %broadcast_in_dim3A_31 = vector.broadcast %broadcast_in_dim3A_30 : f32 to vector<16xf32>
    %broadcast_in_dim3A_32 = arith.constant 0 : i32
    %broadcast_in_dim3A_33 = vector.broadcast %broadcast_in_dim3A_32 : i32 to vector<16xi32>
    %parallel_loop3A_34 = arith.constant 0 : i32
    %parallel_loop3A_35 = arith.constant 1264 : i32
    %parallel_loop3A_36 = arith.constant 16 : i32
    %parallel_loop3A_37:2 = scf.for %parallel_loop3A_61 = %parallel_loop3A_34 to %parallel_loop3A_35 step %parallel_loop3A_36 iter_args(%parallel_loop3A_62 = %broadcast_in_dim3A_31, %parallel_loop3A_63 = %broadcast_in_dim3A_33) -> (vector<16xf32>, vector<16xi32>)  : i32 {
      %parallel_loop3A_64 = arith.index_cast %parallel_loop3A_61 : i32 to index
      %parallel_loop3A_65 = tpu.vector_load %arg8[%parallel_loop3A_64] {strides = array<i32>} : memref<1264xf32, #tpu.memory_space<vmem>>, vector<16xf32>,
      %parallel_loop3A_66 = arith.index_cast %parallel_loop3A_61 : i32 to index
      %parallel_loop3A_67 = tpu.vector_load %arg9[%parallel_loop3A_66] {strides = array<i32>} : memref<1264xf32, #tpu.memory_space<vmem>>, vector<16xf32>,
      %parallel_loop3A_68 = arith.index_cast %parallel_loop3A_61 : i32 to index
      %parallel_loop3A_69 = tpu.vector_load %arg10[%parallel_loop3A_68] {strides = array<i32>} : memref<1264xf32, #tpu.memory_space<vmem>>, vector<16xf32>,
      %parallel_loop3A_70 = arith.index_cast %parallel_loop3A_61 : i32 to index
      %parallel_loop3A_71 = tpu.vector_load %arg11[%parallel_loop3A_70] {strides = array<i32>} : memref<1264xf32, #tpu.memory_space<vmem>>, vector<16xf32>,
      %parallel_loop3A_72 = arith.maximumf %parallel_loop3A_65, %broadcast_in_dim3A_21 : vector<16xf32>
      %parallel_loop3A_73 = arith.maximumf %parallel_loop3A_67, %broadcast_in_dim3A_23 : vector<16xf32>
      %parallel_loop3A_74 = arith.minimumf %parallel_loop3A_69, %broadcast_in_dim3A_25 : vector<16xf32>
      %parallel_loop3A_75 = arith.minimumf %parallel_loop3A_71, %broadcast_in_dim3A_27 : vector<16xf32>
      %parallel_loop3A_76 = arith.subf %parallel_loop3A_74, %parallel_loop3A_72 : vector<16xf32>
      %parallel_loop3A_77 = arith.constant 0.000000e+00 : f32
      %parallel_loop3A_78 = vector.broadcast %parallel_loop3A_77 : f32 to vector<16xf32>
      %parallel_loop3A_79 = arith.maximumf %parallel_loop3A_76, %parallel_loop3A_78 : vector<16xf32>
      %parallel_loop3A_80 = arith.subf %parallel_loop3A_75, %parallel_loop3A_73 : vector<16xf32>
      %parallel_loop3A_81 = arith.constant 0.000000e+00 : f32
      %parallel_loop3A_82 = vector.broadcast %parallel_loop3A_81 : f32 to vector<16xf32>
      %parallel_loop3A_83 = arith.maximumf %parallel_loop3A_80, %parallel_loop3A_82 : vector<16xf32>
      %parallel_loop3A_84 = arith.mulf %parallel_loop3A_79, %parallel_loop3A_83 : vector<16xf32>
      %parallel_loop3A_85 = arith.index_cast %parallel_loop3A_61 : i32 to index
      %parallel_loop3A_86 = tpu.vector_load %arg13[%parallel_loop3A_85] {strides = array<i32>} : memref<1264xf32, #tpu.memory_space<vmem>>, vector<16xf32>,
      %parallel_loop3A_87 = arith.addf %parallel_loop3A_86, %mul3A_29 : vector<16xf32>
      %parallel_loop3A_88 = arith.subf %parallel_loop3A_87, %parallel_loop3A_84 : vector<16xf32>
      %parallel_loop3A_89 = arith.constant 9.99999971E-10 : f32
      %parallel_loop3A_90 = vector.broadcast %parallel_loop3A_89 : f32 to vector<16xf32>
      %parallel_loop3A_91 = arith.addf %parallel_loop3A_88, %parallel_loop3A_90 : vector<16xf32>
      %parallel_loop3A_92 = arith.divf %parallel_loop3A_84, %parallel_loop3A_91 : vector<16xf32>
      %parallel_loop3A_93 = arith.constant 5.000000e-01 : f32
      %parallel_loop3A_94 = vector.broadcast %parallel_loop3A_93 : f32 to vector<16xf32>
      %parallel_loop3A_95 = arith.cmpf ogt, %parallel_loop3A_92, %parallel_loop3A_94 : vector<16xf32>
      %parallel_loop3A_96 = arith.index_cast %parallel_loop3A_61 : i32 to index
      %parallel_loop3A_97 = tpu.vector_load %arg12[%parallel_loop3A_96] {strides = array<i32>} : memref<1264xf32, #tpu.memory_space<vmem>>, vector<16xf32>,
      %parallel_loop3A_98 = arith.constant 0xFF800000 : f32
      %parallel_loop3A_99 = vector.broadcast %parallel_loop3A_98 : f32 to vector<16xf32>
      %parallel_loop3A_100 = arith.select %parallel_loop3A_95, %parallel_loop3A_99, %parallel_loop3A_97 : vector<16xi1>, vector<16xf32>
      %parallel_loop3A_101 = arith.index_cast %parallel_loop3A_61 : i32 to index
      %parallel_loop3A_102 = tpu.vector_load %arg12[%parallel_loop3A_101] {strides = array<i32>} : memref<1264xf32, #tpu.memory_space<vmem>>, vector<16xf32>,
      tpu.vector_store %arg12[%parallel_loop3A_101], %parallel_loop3A_100 {strides = array<i32>} : memref<1264xf32, #tpu.memory_space<vmem>>, vector<16xf32>,
      %parallel_loop3A_103 = arith.cmpf ogt, %parallel_loop3A_100, %parallel_loop3A_62 : vector<16xf32>
      %parallel_loop3A_104 = arith.select %parallel_loop3A_103, %parallel_loop3A_100, %parallel_loop3A_62 : vector<16xi1>, vector<16xf32>
      %parallel_loop3A_105 = vector.broadcast %parallel_loop3A_61 : i32 to vector<16xi32>
      %parallel_loop3A_106 = arith.select %parallel_loop3A_103, %parallel_loop3A_105, %parallel_loop3A_63 : vector<16xi1>, vector<16xi32>
      scf.yield %parallel_loop3A_104, %parallel_loop3A_106 : vector<16xf32>, vector<16xi32>
    } {sc.loop_unroll_factor = 3 : i64, sc.parallel_access}
    %reduce_max3A = arith.constant true
    %reduce_max3A_38 = vector.broadcast %reduce_max3A : i1 to vector<16xi1>
    %reduce_max3A_39 = tpu.scan <max>, %parallel_loop3A_37#0 masked %reduce_max3A_38 : vector<16xf32>, vector<16xi1> -> vector<16xf32>
    %reduce_max3A_40 = vector.extract %reduce_max3A_39[15] : f32 from vector<16xf32>
    %eq3A = vector.broadcast %reduce_max3A_40 : f32 to vector<16xf32>
    %eq3A_41 = arith.cmpf oeq, %parallel_loop3A_37#0, %eq3A : vector<16xf32>
    %add3A = arith.addi %parallel_loop3A_37#1, %iota3A : vector<16xi32>
    %jit3A = arith.constant 1073741824 : i32
    %broadcast_in_dim3A_42 = vector.broadcast %jit3A : i32 to vector<16xi32>
    %select_n3A = arith.select %eq3A_41, %add3A, %broadcast_in_dim3A_42 : vector<16xi1>, vector<16xi32>
    %reduce_min3A = arith.constant true
    %reduce_min3A_43 = vector.broadcast %reduce_min3A : i1 to vector<16xi1>
    %reduce_min3A_44 = arith.constant -2147483648 : i32
    %reduce_min3A_45 = vector.broadcast %reduce_min3A_44 : i32 to vector<16xi32>
    %reduce_min3A_46 = arith.xori %select_n3A, %reduce_min3A_45 : vector<16xi32>
    %reduce_min3A_47 = tpu.scan <min>, %reduce_min3A_46 masked %reduce_min3A_43 : vector<16xi32>, vector<16xi1> -> vector<16xi32>
    %reduce_min3A_48 = arith.xori %reduce_min3A_47, %reduce_min3A_45 : vector<16xi32>
    %reduce_min3A_49 = vector.extract %reduce_min3A_48[15] : i32 from vector<16xi32>
    %scan3A = arith.constant 1073741824 : i32
    %scan3A_50 = arith.constant 0 : i32
    %scan3A_51 = arith.constant 100 : i32
    %scan3A_52 = arith.addi %scan3A_50, %scan3A_51 : i32
    %scan3A_53 = arith.constant 1 : i32
    %scan3A_54:2 = scf.for %scan3A_61 = %scan3A_50 to %scan3A_52 step %scan3A_53 iter_args(%scan3A_62 = %reduce_max3A_40, %scan3A_63 = %reduce_min3A_49) -> (f32, i32)  : i32 {
      %broadcast_in_dim3A_64 = vector.broadcast %scan3A_63 : i32 to vector<16xi32>
      %gather3A = tpu.vector_load_idx %arg8[%broadcast_in_dim3A_64] : memref<1264xf32, #tpu.memory_space<vmem>>[vector<16xi32>], vector<16xf32>,
      %gather3A_65 = tpu.vector_load_idx %arg9[%broadcast_in_dim3A_64] : memref<1264xf32, #tpu.memory_space<vmem>>[vector<16xi32>], vector<16xf32>,
      %gather3A_66 = tpu.vector_load_idx %arg10[%broadcast_in_dim3A_64] : memref<1264xf32, #tpu.memory_space<vmem>>[vector<16xi32>], vector<16xf32>,
      %gather3A_67 = tpu.vector_load_idx %arg11[%broadcast_in_dim3A_64] : memref<1264xf32, #tpu.memory_space<vmem>>[vector<16xi32>], vector<16xf32>,
      %broadcast_in_dim3A_68 = vector.broadcast %scan3A_62 : f32 to vector<16xf32>
      %eq3A_69 = arith.constant 0 : i32
      %eq3A_70 = vector.broadcast %eq3A_69 : i32 to vector<16xi32>
      %eq3A_71 = arith.cmpi eq, %iota3A, %eq3A_70 : vector<16xi32>
      %eq3A_72 = arith.constant 1 : i32
      %eq3A_73 = vector.broadcast %eq3A_72 : i32 to vector<16xi32>
      %eq3A_74 = arith.cmpi eq, %iota3A, %eq3A_73 : vector<16xi32>
      %eq3A_75 = arith.constant 2 : i32
      %eq3A_76 = vector.broadcast %eq3A_75 : i32 to vector<16xi32>
      %eq3A_77 = arith.cmpi eq, %iota3A, %eq3A_76 : vector<16xi32>
      %eq3A_78 = arith.constant 3 : i32
      %eq3A_79 = vector.broadcast %eq3A_78 : i32 to vector<16xi32>
      %eq3A_80 = arith.cmpi eq, %iota3A, %eq3A_79 : vector<16xi32>
      %eq3A_81 = arith.constant 4 : i32
      %eq3A_82 = vector.broadcast %eq3A_81 : i32 to vector<16xi32>
      %eq3A_83 = arith.cmpi eq, %iota3A, %eq3A_82 : vector<16xi32>
      %jit3A_84 = arith.constant 0.000000e+00 : f32
      %broadcast_in_dim3A_85 = vector.broadcast %jit3A_84 : f32 to vector<16xf32>
      %select_n3A_86 = arith.select %eq3A_83, %gather3A_67, %broadcast_in_dim3A_85 : vector<16xi1>, vector<16xf32>
      %select_n3A_87 = arith.select %eq3A_80, %gather3A_66, %select_n3A_86 : vector<16xi1>, vector<16xf32>
      %select_n3A_88 = arith.select %eq3A_77, %gather3A_65, %select_n3A_87 : vector<16xi1>, vector<16xf32>
      %select_n3A_89 = arith.select %eq3A_74, %gather3A, %select_n3A_88 : vector<16xi1>, vector<16xf32>
      %select_n3A_90 = arith.select %eq3A_71, %broadcast_in_dim3A_68, %select_n3A_89 : vector<16xi1>, vector<16xf32>
      %swap3A = arith.constant 0 : index
      %swap3A_91 = tpu.vector_load %arg14[%swap3A] {strides = array<i32>} : memref<16xf32, #tpu.memory_space<vmem>>, vector<16xf32>,
      tpu.vector_store %arg14[%swap3A], %select_n3A_90 {strides = array<i32>} : memref<16xf32, #tpu.memory_space<vmem>>, vector<16xf32>,
      %rem3A = arith.constant 2 : i32
      %rem3A_92 = arith.remsi %scan3A_61, %rem3A : i32
      %mul3A_93 = arith.constant 256 : i32
      %mul3A_94 = arith.muli %rem3A_92, %mul3A_93 : i32
      %mul3A_95 = arith.constant 16 : i32
      %mul3A_96 = arith.muli %arg1, %mul3A_95 : i32
      %add3A_97 = arith.addi %mul3A_94, %mul3A_96 : i32
      "tpu.region"() ({
        %run_scoped3A = tpu.sem_alloc : memref<!tpu.dma_semaphore, #tpu.memory_space<semaphore_mem>>
        %dma_start3A_190 = tpu.memref_slice %arg17[%add3A_97] : memref<512xf32, #tpu.memory_space<vmem_shared>> -> memref<16xf32, #tpu.memory_space<vmem_shared>>
        %dma_start3A_191 = tpu.memref_slice %arg17[%add3A_97] : memref<512xf32, #tpu.memory_space<vmem_shared>> -> memref<16xf32, #tpu.memory_space<vmem_shared>>
        tpu.enqueue_dma source(%arg14 : memref<16xf32, #tpu.memory_space<vmem>>) target(%dma_start3A_191 : memref<16xf32, #tpu.memory_space<vmem_shared>>) target_semaphore(%run_scoped3A : memref<!tpu.dma_semaphore, #tpu.memory_space<semaphore_mem>>)
        %dma_wait3A_192 = tpu.memref_slice %arg17[%add3A_97] : memref<512xf32, #tpu.memory_space<vmem_shared>> -> memref<16xf32, #tpu.memory_space<vmem_shared>>
        %dma_wait3A_193 = tpu.memref_slice %arg17[%add3A_97] : memref<512xf32, #tpu.memory_space<vmem_shared>> -> memref<16xf32, #tpu.memory_space<vmem_shared>>
        tpu.wait_dma2 semaphore(%run_scoped3A : memref<!tpu.dma_semaphore, #tpu.memory_space<semaphore_mem>>) src(%arg14 : memref<16xf32, #tpu.memory_space<vmem>>) dst(%dma_wait3A_193 : memref<16xf32, #tpu.memory_space<vmem_shared>>)
        tpu.yield
      }) : () -> ()
      %barrier3A = arith.constant 0 : index
      tpu.barrier barrier_id(%barrier3A)
      "tpu.region"() ({
        %run_scoped3A = tpu.sem_alloc : memref<!tpu.dma_semaphore, #tpu.memory_space<semaphore_mem>>
        %dma_start3A_190 = tpu.memref_slice %arg17[%mul3A_94] : memref<512xf32, #tpu.memory_space<vmem_shared>> -> memref<256xf32, #tpu.memory_space<vmem_shared>>
        %dma_start3A_191 = tpu.memref_slice %arg17[%mul3A_94] : memref<512xf32, #tpu.memory_space<vmem_shared>> -> memref<256xf32, #tpu.memory_space<vmem_shared>>
        tpu.enqueue_dma source(%dma_start3A_191 : memref<256xf32, #tpu.memory_space<vmem_shared>>) target(%arg15 : memref<256xf32, #tpu.memory_space<vmem>>) target_semaphore(%run_scoped3A : memref<!tpu.dma_semaphore, #tpu.memory_space<semaphore_mem>>)
        %dma_wait3A_192 = tpu.memref_slice %arg17[%mul3A_94] : memref<512xf32, #tpu.memory_space<vmem_shared>> -> memref<256xf32, #tpu.memory_space<vmem_shared>>
        %dma_wait3A_193 = tpu.memref_slice %arg17[%mul3A_94] : memref<512xf32, #tpu.memory_space<vmem_shared>> -> memref<256xf32, #tpu.memory_space<vmem_shared>>
        tpu.wait_dma2 semaphore(%run_scoped3A : memref<!tpu.dma_semaphore, #tpu.memory_space<semaphore_mem>>) src(%dma_wait3A_193 : memref<256xf32, #tpu.memory_space<vmem_shared>>) dst(%arg15 : memref<256xf32, #tpu.memory_space<vmem>>)
        tpu.yield
      }) : () -> ()
      %mul3A_98 = arith.constant 16 : i32
      %mul3A_99 = vector.broadcast %mul3A_98 : i32 to vector<16xi32>
      %mul3A_100 = arith.muli %iota3A, %mul3A_99 : vector<16xi32>
      %gather3A_101 = tpu.vector_load_idx %arg15[%mul3A_100] : memref<256xf32, #tpu.memory_space<vmem>>[vector<16xi32>], vector<16xf32>,
      %reduce_max3A_102 = arith.constant true
      %reduce_max3A_103 = vector.broadcast %reduce_max3A_102 : i1 to vector<16xi1>
      %reduce_max3A_104 = tpu.scan <max>, %gather3A_101 masked %reduce_max3A_103 : vector<16xf32>, vector<16xi1> -> vector<16xf32>
      %reduce_max3A_105 = vector.extract %reduce_max3A_104[15] : f32 from vector<16xf32>
      %eq3A_106 = vector.broadcast %reduce_max3A_105 : f32 to vector<16xf32>
      %eq3A_107 = arith.cmpf oeq, %gather3A_101, %eq3A_106 : vector<16xf32>
      %all_reduce_ffs3A = tpu.all_reduce %eq3A_107 {dim = 0 : i64, kind = #tpu.reduction_kind<find_first_set>} : vector<16xi1> -> vector<16xi32>
      %mul3A_108 = arith.constant 16 : i32
      %mul3A_109 = vector.broadcast %mul3A_108 : i32 to vector<16xi32>
      %mul3A_110 = arith.muli %all_reduce_ffs3A, %mul3A_109 : vector<16xi32>
      %add3A_111 = arith.constant 1 : i32
      %add3A_112 = vector.broadcast %add3A_111 : i32 to vector<16xi32>
      %add3A_113 = arith.addi %mul3A_110, %add3A_112 : vector<16xi32>
      %gather3A_114 = tpu.vector_load_idx %arg15[%add3A_113] : memref<256xf32, #tpu.memory_space<vmem>>[vector<16xi32>], vector<16xf32>,
      %add3A_115 = arith.constant 2 : i32
      %add3A_116 = vector.broadcast %add3A_115 : i32 to vector<16xi32>
      %add3A_117 = arith.addi %mul3A_110, %add3A_116 : vector<16xi32>
      %gather3A_118 = tpu.vector_load_idx %arg15[%add3A_117] : memref<256xf32, #tpu.memory_space<vmem>>[vector<16xi32>], vector<16xf32>,
      %add3A_119 = arith.constant 3 : i32
      %add3A_120 = vector.broadcast %add3A_119 : i32 to vector<16xi32>
      %add3A_121 = arith.addi %mul3A_110, %add3A_120 : vector<16xi32>
      %gather3A_122 = tpu.vector_load_idx %arg15[%add3A_121] : memref<256xf32, #tpu.memory_space<vmem>>[vector<16xi32>], vector<16xf32>,
      %add3A_123 = arith.constant 4 : i32
      %add3A_124 = vector.broadcast %add3A_123 : i32 to vector<16xi32>
      %add3A_125 = arith.addi %mul3A_110, %add3A_124 : vector<16xi32>
      %gather3A_126 = tpu.vector_load_idx %arg15[%add3A_125] : memref<256xf32, #tpu.memory_space<vmem>>[vector<16xi32>], vector<16xf32>,
      %gt3A = arith.constant 0xFF800000 : f32
      %gt3A_127 = arith.cmpf ogt, %reduce_max3A_105, %gt3A : f32
      %broadcast_in_dim3A_128 = vector.broadcast %reduce_max3A_105 : f32 to vector<16xf32>
      %eq3A_129 = arith.constant 0 : i32
      %eq3A_130 = vector.broadcast %eq3A_129 : i32 to vector<16xi32>
      %eq3A_131 = arith.cmpi eq, %iota3A, %eq3A_130 : vector<16xi32>
      %eq3A_132 = arith.constant 1 : i32
      %eq3A_133 = vector.broadcast %eq3A_132 : i32 to vector<16xi32>
      %eq3A_134 = arith.cmpi eq, %iota3A, %eq3A_133 : vector<16xi32>
      %eq3A_135 = arith.constant 2 : i32
      %eq3A_136 = vector.broadcast %eq3A_135 : i32 to vector<16xi32>
      %eq3A_137 = arith.cmpi eq, %iota3A, %eq3A_136 : vector<16xi32>
      %eq3A_138 = arith.constant 3 : i32
      %eq3A_139 = vector.broadcast %eq3A_138 : i32 to vector<16xi32>
      %eq3A_140 = arith.cmpi eq, %iota3A, %eq3A_139 : vector<16xi32>
      %eq3A_141 = arith.constant 4 : i32
      %eq3A_142 = vector.broadcast %eq3A_141 : i32 to vector<16xi32>
      %eq3A_143 = arith.cmpi eq, %iota3A, %eq3A_142 : vector<16xi32>
      %jit3A_144 = arith.constant 0.000000e+00 : f32
      %broadcast_in_dim3A_145 = vector.broadcast %jit3A_144 : f32 to vector<16xf32>
      %select_n3A_146 = arith.select %eq3A_143, %broadcast_in_dim3A_128, %broadcast_in_dim3A_145 : vector<16xi1>, vector<16xf32>
      %select_n3A_147 = arith.select %eq3A_140, %gather3A_126, %select_n3A_146 : vector<16xi1>, vector<16xf32>
      %select_n3A_148 = arith.select %eq3A_137, %gather3A_122, %select_n3A_147 : vector<16xi1>, vector<16xf32>
      %select_n3A_149 = arith.select %eq3A_134, %gather3A_118, %select_n3A_148 : vector<16xi1>, vector<16xf32>
      %select_n3A_150 = arith.select %eq3A_131, %gather3A_114, %select_n3A_149 : vector<16xi1>, vector<16xf32>
      %lt3A = arith.constant 5 : i32
      %lt3A_151 = vector.broadcast %lt3A : i32 to vector<16xi32>
      %lt3A_152 = arith.cmpi slt, %iota3A, %lt3A_151 : vector<16xi32>
      %and3A_153 = vector.broadcast %gt3A_127 : i1 to vector<16xi1>
      %and3A_154 = arith.andi %lt3A_152, %and3A_153 : vector<16xi1>
      %jit3A_155 = arith.constant 0.000000e+00 : f32
      %broadcast_in_dim3A_156 = vector.broadcast %jit3A_155 : f32 to vector<16xf32>
      %select_n3A_157 = arith.select %and3A_154, %select_n3A_150, %broadcast_in_dim3A_156 : vector<16xi1>, vector<16xf32>
      %mul3A_158 = arith.constant 16 : i32
      %mul3A_159 = arith.muli %scan3A_61, %mul3A_158 : i32
      %swap3A_160 = arith.index_cast %mul3A_159 : i32 to index
      %swap3A_161 = tpu.vector_load %arg16[%swap3A_160] {strides = array<i32>} : memref<1600xf32, #tpu.memory_space<vmem>>, vector<16xf32>,
      tpu.vector_store %arg16[%swap3A_160], %select_n3A_157 {strides = array<i32>} : memref<1600xf32, #tpu.memory_space<vmem>>, vector<16xf32>,
      %sub3A_162 = arith.subf %gather3A_122, %gather3A_114 : vector<16xf32>
      %sub3A_163 = arith.subf %gather3A_126, %gather3A_118 : vector<16xf32>
      %mul3A_164 = arith.mulf %sub3A_162, %sub3A_163 : vector<16xf32>
      %broadcast_in_dim3A_165 = arith.constant 0xFF800000 : f32
      %broadcast_in_dim3A_166 = vector.broadcast %broadcast_in_dim3A_165 : f32 to vector<16xf32>
      %broadcast_in_dim3A_167 = arith.constant 0 : i32
      %broadcast_in_dim3A_168 = vector.broadcast %broadcast_in_dim3A_167 : i32 to vector<16xi32>
      %parallel_loop3A_169 = arith.constant 0 : i32
      %parallel_loop3A_170 = arith.constant 1264 : i32
      %parallel_loop3A_171 = arith.constant 16 : i32
      %parallel_loop3A_172:2 = scf.for %parallel_loop3A_190 = %parallel_loop3A_169 to %parallel_loop3A_170 step %parallel_loop3A_171 iter_args(%parallel_loop3A_191 = %broadcast_in_dim3A_166, %parallel_loop3A_192 = %broadcast_in_dim3A_168) -> (vector<16xf32>, vector<16xi32>)  : i32 {
        %parallel_loop3A_193 = arith.index_cast %parallel_loop3A_190 : i32 to index
        %parallel_loop3A_194 = tpu.vector_load %arg8[%parallel_loop3A_193] {strides = array<i32>} : memref<1264xf32, #tpu.memory_space<vmem>>, vector<16xf32>,
        %parallel_loop3A_195 = arith.index_cast %parallel_loop3A_190 : i32 to index
        %parallel_loop3A_196 = tpu.vector_load %arg9[%parallel_loop3A_195] {strides = array<i32>} : memref<1264xf32, #tpu.memory_space<vmem>>, vector<16xf32>,
        %parallel_loop3A_197 = arith.index_cast %parallel_loop3A_190 : i32 to index
        %parallel_loop3A_198 = tpu.vector_load %arg10[%parallel_loop3A_197] {strides = array<i32>} : memref<1264xf32, #tpu.memory_space<vmem>>, vector<16xf32>,
        %parallel_loop3A_199 = arith.index_cast %parallel_loop3A_190 : i32 to index
        %parallel_loop3A_200 = tpu.vector_load %arg11[%parallel_loop3A_199] {strides = array<i32>} : memref<1264xf32, #tpu.memory_space<vmem>>, vector<16xf32>,
        %parallel_loop3A_201 = arith.maximumf %parallel_loop3A_194, %gather3A_114 : vector<16xf32>
        %parallel_loop3A_202 = arith.maximumf %parallel_loop3A_196, %gather3A_118 : vector<16xf32>
        %parallel_loop3A_203 = arith.minimumf %parallel_loop3A_198, %gather3A_122 : vector<16xf32>
        %parallel_loop3A_204 = arith.minimumf %parallel_loop3A_200, %gather3A_126 : vector<16xf32>
        %parallel_loop3A_205 = arith.subf %parallel_loop3A_203, %parallel_loop3A_201 : vector<16xf32>
        %parallel_loop3A_206 = arith.constant 0.000000e+00 : f32
        %parallel_loop3A_207 = vector.broadcast %parallel_loop3A_206 : f32 to vector<16xf32>
        %parallel_loop3A_208 = arith.maximumf %parallel_loop3A_205, %parallel_loop3A_207 : vector<16xf32>
        %parallel_loop3A_209 = arith.subf %parallel_loop3A_204, %parallel_loop3A_202 : vector<16xf32>
        %parallel_loop3A_210 = arith.constant 0.000000e+00 : f32
        %parallel_loop3A_211 = vector.broadcast %parallel_loop3A_210 : f32 to vector<16xf32>
        %parallel_loop3A_212 = arith.maximumf %parallel_loop3A_209, %parallel_loop3A_211 : vector<16xf32>
        %parallel_loop3A_213 = arith.mulf %parallel_loop3A_208, %parallel_loop3A_212 : vector<16xf32>
        %parallel_loop3A_214 = arith.index_cast %parallel_loop3A_190 : i32 to index
        %parallel_loop3A_215 = tpu.vector_load %arg13[%parallel_loop3A_214] {strides = array<i32>} : memref<1264xf32, #tpu.memory_space<vmem>>, vector<16xf32>,
        %parallel_loop3A_216 = arith.addf %parallel_loop3A_215, %mul3A_164 : vector<16xf32>
        %parallel_loop3A_217 = arith.subf %parallel_loop3A_216, %parallel_loop3A_213 : vector<16xf32>
        %parallel_loop3A_218 = arith.constant 9.99999971E-10 : f32
        %parallel_loop3A_219 = vector.broadcast %parallel_loop3A_218 : f32 to vector<16xf32>
        %parallel_loop3A_220 = arith.addf %parallel_loop3A_217, %parallel_loop3A_219 : vector<16xf32>
        %parallel_loop3A_221 = arith.divf %parallel_loop3A_213, %parallel_loop3A_220 : vector<16xf32>
        %parallel_loop3A_222 = arith.constant 5.000000e-01 : f32
        %parallel_loop3A_223 = vector.broadcast %parallel_loop3A_222 : f32 to vector<16xf32>
        %parallel_loop3A_224 = arith.cmpf ogt, %parallel_loop3A_221, %parallel_loop3A_223 : vector<16xf32>
        %parallel_loop3A_225 = arith.index_cast %parallel_loop3A_190 : i32 to index
        %parallel_loop3A_226 = tpu.vector_load %arg12[%parallel_loop3A_225] {strides = array<i32>} : memref<1264xf32, #tpu.memory_space<vmem>>, vector<16xf32>,
        %parallel_loop3A_227 = arith.constant 0xFF800000 : f32
        %parallel_loop3A_228 = vector.broadcast %parallel_loop3A_227 : f32 to vector<16xf32>
        %parallel_loop3A_229 = arith.select %parallel_loop3A_224, %parallel_loop3A_228, %parallel_loop3A_226 : vector<16xi1>, vector<16xf32>
        %parallel_loop3A_230 = arith.index_cast %parallel_loop3A_190 : i32 to index
        %parallel_loop3A_231 = tpu.vector_load %arg12[%parallel_loop3A_230] {strides = array<i32>} : memref<1264xf32, #tpu.memory_space<vmem>>, vector<16xf32>,
        tpu.vector_store %arg12[%parallel_loop3A_230], %parallel_loop3A_229 {strides = array<i32>} : memref<1264xf32, #tpu.memory_space<vmem>>, vector<16xf32>,
        %parallel_loop3A_232 = arith.cmpf ogt, %parallel_loop3A_229, %parallel_loop3A_191 : vector<16xf32>
        %parallel_loop3A_233 = arith.select %parallel_loop3A_232, %parallel_loop3A_229, %parallel_loop3A_191 : vector<16xi1>, vector<16xf32>
        %parallel_loop3A_234 = vector.broadcast %parallel_loop3A_190 : i32 to vector<16xi32>
        %parallel_loop3A_235 = arith.select %parallel_loop3A_232, %parallel_loop3A_234, %parallel_loop3A_192 : vector<16xi1>, vector<16xi32>
        scf.yield %parallel_loop3A_233, %parallel_loop3A_235 : vector<16xf32>, vector<16xi32>
      } {sc.loop_unroll_factor = 3 : i64, sc.parallel_access}
      %reduce_max3A_173 = arith.constant true
      %reduce_max3A_174 = vector.broadcast %reduce_max3A_173 : i1 to vector<16xi1>
      %reduce_max3A_175 = tpu.scan <max>, %parallel_loop3A_172#0 masked %reduce_max3A_174 : vector<16xf32>, vector<16xi1> -> vector<16xf32>
      %reduce_max3A_176 = vector.extract %reduce_max3A_175[15] : f32 from vector<16xf32>
      %eq3A_177 = vector.broadcast %reduce_max3A_176 : f32 to vector<16xf32>
      %eq3A_178 = arith.cmpf oeq, %parallel_loop3A_172#0, %eq3A_177 : vector<16xf32>
      %add3A_179 = arith.addi %parallel_loop3A_172#1, %iota3A : vector<16xi32>
      %broadcast_in_dim3A_180 = vector.broadcast %scan3A : i32 to vector<16xi32>
      %select_n3A_181 = arith.select %eq3A_178, %add3A_179, %broadcast_in_dim3A_180 : vector<16xi1>, vector<16xi32>
      %reduce_min3A_182 = arith.constant true
      %reduce_min3A_183 = vector.broadcast %reduce_min3A_182 : i1 to vector<16xi1>
      %reduce_min3A_184 = arith.constant -2147483648 : i32
      %reduce_min3A_185 = vector.broadcast %reduce_min3A_184 : i32 to vector<16xi32>
      %reduce_min3A_186 = arith.xori %select_n3A_181, %reduce_min3A_185 : vector<16xi32>
      %reduce_min3A_187 = tpu.scan <min>, %reduce_min3A_186 masked %reduce_min3A_183 : vector<16xi32>, vector<16xi1> -> vector<16xi32>
      %reduce_min3A_188 = arith.xori %reduce_min3A_187, %reduce_min3A_185 : vector<16xi32>
      %reduce_min3A_189 = vector.extract %reduce_min3A_188[15] : i32 from vector<16xi32>
      scf.yield %reduce_max3A_176, %reduce_min3A_189 : f32, i32
    }
    %scan3A_55 = arith.constant 100 : i32
    %eq3A_56 = arith.constant 0 : i32
    %eq3A_57 = arith.cmpi eq, %arg0, %eq3A_56 : i32
    %eq3A_58 = arith.constant 0 : i32
    %eq3A_59 = arith.cmpi eq, %arg1, %eq3A_58 : i32
    %and3A = arith.andi %eq3A_57, %eq3A_59 : i1
    %convert_element_type3A = arith.extui %and3A : i1 to i32
    %cond3A = arith.constant 0 : i32
    %cond3A_60 = arith.cmpi ne, %convert_element_type3A, %cond3A : i32
    scf.if %cond3A_60 {
      "tpu.region"() ({
        %run_scoped3A = tpu.sem_alloc : memref<!tpu.dma_semaphore, #tpu.memory_space<semaphore_mem>>
        tpu.enqueue_dma source(%arg16 : memref<1600xf32, #tpu.memory_space<vmem>>) target(%arg7 : memref<1600xf32, #tpu.memory_space<hbm>>) target_semaphore(%run_scoped3A : memref<!tpu.dma_semaphore, #tpu.memory_space<semaphore_mem>>)
        tpu.wait_dma2 semaphore(%run_scoped3A : memref<!tpu.dma_semaphore, #tpu.memory_space<semaphore_mem>>) src(%arg16 : memref<1600xf32, #tpu.memory_space<vmem>>) dst(%arg7 : memref<1600xf32, #tpu.memory_space<hbm>>)
        tpu.yield
      }) : () -> ()
    } else {
    }
    return
  }
}

</mosaic_0001>

<sc_bundles>
// kernel: kernel.3.cloned.1.call-start
scs
__scs_entry_jumppad:
0x0: {  	(pc) =	sbr.rel $0x88, $3  }
0x1: {  	(tag) =	ssettag $0x0;
	lr =	simm.s32 $0x1  }
0x2: {  	[smem:$0x3F9F] =	sst lr;
	_ =	strace $0xD0000000  }
0x3: {  	_ = 	snop  }
0x4: {  	_ = 	snop  }
0x5: {  	_ = 	snop  }
0x6: {  	_ = 	snop  }
0x7: {  	_ = 	snop  }
__scs_overlays_trampoline_lowered:
0x8: {  	[smem:$0x3FAE] =	sst s0  }
0x9: {  	[smem:$0x3FAF] =	sst s1  }
0xa: {  	[smem:$0x3FB0] =	sst s2  }
0xb: {  	[smem:$0x3FB1] =	sst s3  }
0xc: {  	[smem:$0x3FB2] =	sst s4  }
0xd: {  	[smem:$0x3FB3] =	sst s5  }
0xe: {  	[smem:$0x3FB4] =	sst s6  }
0xf: {  	[smem:$0x3FB5] =	sst s7  }
0x10: {  	[smem:$0x3FB6] =	sst s8  }
0x11: {  	[smem:$0x3FB7] =	sst s9;
	s0 =	simm.s32 @!p0 $0x0  }
0x12: {  	s1 =	sld [smem:$0x3F9D];
	s0 =	simm.s32 @p0 $0x1  }
0x13: {  	[smem:$0x3FB8] =	sst s0;
	s0 =	simm.s32 @!p1 $0x0  }
0x14: {  	s2 =	sld [smem:$0x3F9C];
	s0 =	simm.s32 @p1 $0x1  }
0x15: {  	[smem:$0x3FB9] =	sst s0;
	s0 =	simm.s32 @!p2 $0x0  }
0x16: {  	s3 =	sld [smem:$0x3FDB];
	s0 =	simm.s32 @p2 $0x1  }
0x17: {  	s4 =	simm.s32 $0x1BF5;
	[smem:$0x3FBB] =	sst s0  }
0x18: {  	s0 =	sld [smem:$0x3F9E];
	_ =	swait.ge [sflag:s4], $0x0  }
0x19: {  	s7 =	sld [smem:$0x3F9F]  }
0x1a: {  	s8 =	sadd.s32 $0xFFFFE003, lr  }
0x1b: {  	s9 =	sadd.s32 $0xFFFFFEF7, lr;
	s5 =	simm.s32 $0xFFFFFFFF;
	p2 =	slt.u32 s8, $0xFFFFF086  }
0x1c: {  	p1 =	slt.u32 s9, $0xF7A;
	s5 =	simm.s32 @!p2 $0x0  }
0x1d: {  	s5 =	simm.s32 @p1 $0x1;
	p0 =	seq.s32 s7, s2  }
0x1e: {  	s7 =	smul.u32 @!p0 $0xF7A, s2;
	p2 =	seq.s32 @!p0 s5, $0x0  }
0x1f: {  	s9 =	smul.u32 $0xF7A, s1;
	s8 =	simm.s32 @!p0 $0x1BF5;
	p2 =	por !p2, p0  }
0x20: {  	[sflag:s8] =	ssyncset.s32 @!p0 $0xFFFFF086;
	s6 =	sadd.s32 @!p0 s3, s7;
	s7 =	simm.s32 @!p0 $0x108  }
0x21: {  	s3 =	sadd.s32 s3, s9;
	s6 =	sadd.s32 @!p0 $0x88, s6;
	s7 =	simm.s32 @p2 $0x1082  }
0x22: {  	[simem:s7], [sflag:s8] =	dma.local @!p0 [hbm:s6], $0xF7A  }
0x23: {  	s9 =	sor.u32 $0xD0000000, s2;
	s6 =	simm.s32 $0x108;
	_ =	swait.ge @!p0 [sflag:s8], $0x0  }
0x24: {  	s3 =	sadd.s32 $0x88, s3;
	s6 =	simm.s32 @!p1 $0x1082;
	[sflag:s4] =	ssyncset.s32 $0xFFFFF086  }
0x25: {  	[simem:s6], [sflag:s4] =	dma.local [hbm:s3], $0xF7A  }
0x26: {  	[smem:$0x3F9F] =	sst s1;
	(tag) =	ssettag s2;
	_ =	strace s9  }
0x27: {  	s1 =	sld [smem:$0x3FAF]  }
0x28: {  	s2 =	sld [smem:$0x3FB0]  }
0x29: {  	s4 =	sld [smem:$0x3FB2]  }
0x2a: {  	p0 =	seq.s32 s5, $0x0;
	s5 =	sld [smem:$0x3FB3]  }
0x2b: {  	s6 =	sld [smem:$0x3FB4]  }
0x2c: {  	s7 =	sld [smem:$0x3FB5]  }
0x2d: {  	s3 =	simm.s32 $0x108;
	s8 =	sld [smem:$0x3FB6]  }
0x2e: {  	s3 =	simm.s32 @!p0 $0x1082;
	s9 =	sld [smem:$0x3FB7]  }
0x2f: {  	lr =	sadd.s32 s0, s3;
	s0 =	sld [smem:$0x3FAE]  }
0x30: {  	s3 =	sld [smem:$0x3FB1]  }
0x31: {  	[smem:$0x3FBA] =	sst s10  }
0x32: {  	s10 =	sld [smem:$0x3FB8];
	_ =	sdelay $0x3  }
0x33: {  	p0 =	seq.s32 s10, $0x1;
	s10 =	sld [smem:$0x3FBA];
	_ =	sdelay $0x3  }
0x34: {  	[smem:$0x3FBA] =	sst s10  }
0x35: {  	s10 =	sld [smem:$0x3FB9];
	_ =	sdelay $0x3  }
0x36: {  	p1 =	seq.s32 s10, $0x1;
	s10 =	sld [smem:$0x3FBA];
	_ =	sdelay $0x3  }
0x37: {  	[smem:$0x3FBA] =	sst s10  }
0x38: {  	s10 =	sld [smem:$0x3FBB]  }
0x39: {  	_ = 	snop;
	(pc) =	sbr.ind lr, $3  }
0x3a: {  	_ = 	snop  }
0x3b: {  	_ = 	snop  }
0x3c: {  	p2 =	seq.s32 s10, $0x1;
	s10 =	sld [smem:$0x3FBA]  }
0x3d: {  	_ =	shalt  }
0x3e: {  	_ =	shalt  }
0x3f: {  	_ =	shalt  }
0x40: {  	_ =	shalt  }
0x41: {  	_ =	shalt  }
0x42: {  	_ =	shalt  }
0x43: {  	_ =	shalt  }
0x44: {  	_ =	shalt  }
0x45: {  	_ =	shalt  }
0x46: {  	_ =	shalt  }
0x47: {  	_ =	shalt  }
0x48: {  	_ =	shalt  }
0x49: {  	_ =	shalt  }
0x4a: {  	_ =	shalt  }
0x4b: {  	_ =	shalt  }
0x4c: {  	_ =	shalt  }
0x4d: {  	_ =	shalt  }
0x4e: {  	_ =	shalt  }
0x4f: {  	_ =	shalt  }
0x50: {  	_ =	shalt  }
0x51: {  	_ =	shalt  }
0x52: {  	_ =	shalt  }
0x53: {  	_ =	shalt  }
0x54: {  	_ =	shalt  }
0x55: {  	_ =	shalt  }
0x56: {  	_ =	shalt  }
0x57: {  	_ =	shalt  }
0x58: {  	_ =	shalt  }
0x59: {  	_ =	shalt  }
0x5a: {  	_ =	shalt  }
0x5b: {  	_ =	shalt  }
0x5c: {  	_ =	shalt  }
0x5d: {  	_ =	shalt  }
0x5e: {  	_ =	shalt  }
0x5f: {  	_ =	shalt  }
0x60: {  	_ =	shalt  }
0x61: {  	_ =	shalt  }
0x62: {  	_ =	shalt  }
0x63: {  	_ =	shalt  }
0x64: {  	_ =	shalt  }
0x65: {  	_ =	shalt  }
0x66: {  	_ =	shalt  }
0x67: {  	_ =	shalt  }
0x68: {  	_ =	shalt  }
0x69: {  	_ =	shalt  }
0x6a: {  	_ =	shalt  }
0x6b: {  	_ =	shalt  }
0x6c: {  	_ =	shalt  }
0x6d: {  	_ =	shalt  }
0x6e: {  	_ =	shalt  }
0x6f: {  	_ =	shalt  }
0x70: {  	_ =	shalt  }
0x71: {  	_ =	shalt  }
0x72: {  	_ =	shalt  }
0x73: {  	_ =	shalt  }
0x74: {  	_ =	shalt  }
0x75: {  	_ =	shalt  }
0x76: {  	_ =	shalt  }
0x77: {  	_ =	shalt  }
0x78: {  	_ =	shalt  }
0x79: {  	_ =	shalt  }
0x7a: {  	_ =	shalt  }
0x7b: {  	_ =	shalt  }
0x7c: {  	_ =	shalt  }
0x7d: {  	_ =	shalt  }
0x7e: {  	_ =	shalt  }
0x7f: {  	_ =	shalt  }
0x80: {  	_ =	shalt  }
0x81: {  	_ =	shalt  }
0x82: {  	_ =	shalt  }
0x83: {  	_ =	shalt  }
0x84: {  	_ =	shalt  }
0x85: {  	_ =	shalt  }
0x86: {  	_ =	shalt  }
0x87: {  	_ =	shalt  }
.Lfunc_end0:
.L_simem_size_0:
called_computation_lowered:
.L_overlay_start_0:
0x88: {  	s0 =	sld [smem:$0x3FD9]  }
0x89: {  	s1 =	sld [smem:$0x3FFE];
	_ =	sdelay $0x3  }
0x8a: {  	s0 =	sadd.s32 s1, s0  }
0x8b: {  	[smem:$0x3FC6] =	sst s0  }
0x8c: {  	_ = 	snop  }
0x8d: {  	(tm) =	ssettm $0x1  }
0x8e: {  	s15 =	sld [smem:$0x3FFB];
	_ =	sdelay $0x3  }
0x8f: {  	_ =	strace s15  }
0x90: {  	s0 =	sld [smem:$0x3FFC];
	_ =	sdelay $0x3  }
0x91: {  	_ =	strace s0  }
0x92: {  	s0 =	sld [smem:$0x3FFD];
	_ =	sdelay $0x3  }
0x93: {  	_ =	strace s0  }
0x94: {  	_ =	strace $0x8FFFFFFF  }
0x95: {  	s16 =	sld [smem:$0x3FDB];
	_ =	sdelay $0x1  }
0x96: {  	s17 =	simm.s32 $_scs_section_size  }
0x97: {  	s2 =	simm.s32 $_size__tile_overlayer_lowered;
	s3 =	simm.s32 $_tile_overlayer_lowered  }
0x98: {  	s20 =	simm.s32 $0x1BFF;
	s19 =	sshll.u32 s3, $0x1;
	s0 =	sadd.s32 s17, s16  }
0x99: {  	s4 =	simm.s32 $0x0;
	s18 =	sshll.u32 s2, $0x1;
	s2 =	sadd.s32 s19, s0  }
0x9a: {  	[timem:s4], [sflag:s20] =	dma.local [hbm:s2], s18  }
0x9b: {  	_ =	swait.ge [sflag:s20], s18  }
0x9c: {  	s1 =	ssub.s32 $0x0, s18;
	[sflag:s20] =	ssyncset.done $0x0  }
0x9d: {  	[sflag:s20] =	ssyncadd.s32 s1;
	_ =	sdelay $0x1  }
0x9e: {  	s21 =	simm.s32 $0x1B8B  }
0x9f: {  	_ =	swait.ge [sflag:s21], $0x1  }
0xa0: {  	[sflag:s21] =	ssyncset.done $0x0  }
0xa1: {  	s23 =	simm.s32 $0x1B8E;
	s22 =	sld [smem:$0x3FFE];
	[sflag:s21] =	ssyncadd.s32 $0xFFFFFFFF  }
0xa2: {  	s24 =	simm.s32 $execute0_lowered;
	[smem:$0x3FD2] =	sst s23  }
0xa3: {  	s2 =	sshll.u32 s24, $0x1;
	_ =	strace $0x80000046;
	[dreg:$0x1] =	wrdreg $0xFFFFFFFF  }
0xa4: {  	s25 =	simm.s32 $_size_execute0_lowered;
	s0 =	sadd.s32 s0, s2;
	[dreg:$0x0] =	wrdreg $0x0  }
0xa5: {  	s2 =	sshll.u32 s25, $0x1;
	[dreg:$0x2] =	wrdreg s0  }
0xa6: {  	[dreg:$0x3] =	wrdreg s2  }
0xa7: {  	[dreg:$0x4] =	wrdreg $0xC0  }
0xa8: {  	_ =	task [dreg:s4], $0x5FFFF  }
0xa9: {  	[dreg:$0x1] =	wrdreg $0xFFFFFFFF  }
0xaa: {  	[dreg:$0x0] =	wrdreg $0x60  }
0xab: {  	[dreg:$0x2] =	wrdreg s22  }
0xac: {  	[dreg:$0x3] =	wrdreg $0x26000  }
0xad: {  	[dreg:$0x4] =	wrdreg $0x9  }
0xae: {  	_ =	task.clear_ibuf [dreg:s4], $0x5FFFF;
	_ =	strace $0x90000046  }
0xaf: {  	s26 =	simm.s32 $0x9;
	_ =	strace $0x80000048  }
0xb0: {  	_ =	swait.ge [sflag:s26], $0x1  }
0xb1: {  	[sflag:s26] =	ssyncadd.s32 $0xFFFFFFFF  }
0xb2: {  	_ =	strace $0x90000048  }
0xb3: {  	_ =	sfence  }
0xb4: {  	s28 =	sld [smem:$0x0];
	_ =	sdelay $0x1  }
0xb5: {  	s29 =	srdreg.scid  }
0xb6: {  	s30 =	sshll.u32 s29, $0xD;
	s31 =	sshrl.u32 s29, $0x2  }
0xb7: {  	s1 =	sand.u32 $0x1, s29;
	s2 =	sand.u32 $0x4000, s30;
	s0 =	sadd.s32 s31, s28  }
0xb8: {  	s1 =	sor.u32 s2, s1;
	s0 =	sshll.u32 s0, $0x11  }
0xb9: {  	s0 =	sor.u32 s0, s1  }
0xba: {  	s0 =	sadd.s32 $0x8F2B, s0  }
0xbb: {  	[sflag:s0] =	ssyncadd.remote.s32 $0x1  }
0xbc: {  	_ =	sfence.sel $0xFFFF  }
0xbd: {  	[dreg:$0x0] =	wrdreg $0xFFFFFFFF;
	(pc) =	sbr.abs _section_cstart, $3  }
0xbe: {  	[dreg:$0x1] =	wrdreg $0xFFFFFFFF  }
0xbf: {  	_ =	task.clear_ibuf [dreg:s4], $0x2FFFF;
	_ =	strace $0x9FFFFFFF  }
0xc0: {  	(tm) =	ssettm $0x7FFFFFFF  }
0xc1: {  	_ =	shalt  }
tec
execute0_lowered:
.L_overlay_start_1:
0x0: {  	(tag) =	ssettag $0x1  }
0x1: {  	s3 =	rddreg [dreg:$0x0];
	s1 =	stileid.u32  }
0x2: {  	s2 =	rddreg [dreg:$0x1];
	s4 =	simm.s32 $0x0;
	s5 =	smul.u32 $0x9E, s1  }
0x3: {  	[smem:$0x7FF] =	sst s4  }
0x4: {  	s0 =	rddreg [dreg:$0x2];
	_ =	strace $0x80000047;
	s5 =	sadd.s32 s3, s5  }
0x5: {  	[tilespmem:s4], [sflag:$0x1] =	stream.linear.gather [hbm4b:s5+s4], $0x4F0, $0x38;
	[tilespmem:$0x2620] =	vst v63  }
0x6: {  	s7 =	simm.s32 $0x500;
	s6 =	sadd.s32 $0xA00, s5  }
0x7: {  	[tilespmem:s7], [sflag:$0x1] =	stream.linear.gather [hbm4b:s6+s4], $0x4F0, $0x38;
	[tilespmem:$0x2620] =	vst v63  }
0x8: {  	s23 =	simm.s32 $0xA00;
	s22 =	sadd.s32 $0x1400, s5  }
0x9: {  	[tilespmem:s23], [sflag:$0x1] =	stream.linear.gather [hbm4b:s22+s4], $0x4F0, $0x38;
	[tilespmem:$0x2620] =	vst v63  }
0xa: {  	s25 =	simm.s32 $0xF00;
	s24 =	sadd.s32 $0x1E00, s5  }
0xb: {  	[tilespmem:s25], [sflag:$0x1] =	stream.linear.gather [hbm4b:s24+s4], $0x4F0, $0x38;
	[tilespmem:$0x2620] =	vst v63  }
0xc: {  	s26 =	simm.s32 $0x1400;
	s28 =	simm.s32 $0x1;
	s5 =	sadd.s32 $0x2800, s5  }
0xd: {  	[tilespmem:s26], [sflag:$0x1] =	stream.linear.gather [hbm4b:s5+s4], $0x4F0, $0x38;
	[tilespmem:$0x2620] =	vst v63  }
0xe: {  	_ =	swait.ge [sflag:s28], $0x4F0  }
0xf: {  	[sflag:s28] =	ssyncset.done $0x0  }
0x10: {  	[sflag:s28] =	ssyncadd.s32 $0xFFFFFB10  }
0x11: {  	_ =	swait.ge [sflag:s28], $0x4F0  }
0x12: {  	[sflag:s28] =	ssyncset.done $0x0  }
0x13: {  	[sflag:s28] =	ssyncadd.s32 $0xFFFFFB10  }
0x14: {  	_ =	swait.ge [sflag:s28], $0x4F0  }
0x15: {  	[sflag:s28] =	ssyncset.done $0x0  }
0x16: {  	[sflag:s28] =	ssyncadd.s32 $0xFFFFFB10  }
0x17: {  	_ =	swait.ge [sflag:s28], $0x4F0  }
0x18: {  	[sflag:s28] =	ssyncset.done $0x0  }
0x19: {  	[sflag:s28] =	ssyncadd.s32 $0xFFFFFB10  }
0x1a: {  	_ =	swait.ge [sflag:s28], $0x4F0  }
0x1b: {  	[sflag:s28] =	ssyncset.done $0x0  }
0x1c: {  	s29 =	simm.s32 $0xA20;
	[sflag:s28] =	ssyncadd.s32 $0xFFFFFB10  }
0x1d: {  	s30 =	simm.s32 $0x20;
	v0 =	vld [tilespmem:s29+$0x10]  }
0x1e: {  	s31 =	simm.s32 $0xF20;
	v1 =	vld [tilespmem:s30+$0x10]  }
0x1f: {  	s8 =	simm.s32 $0x520;
	v2 =	vld [tilespmem:s31+$0x10]  }
0x20: {  	v3 =	vld [tilespmem:s8+$0x10]  }
0x21: {  	v4 =	vld [tilespmem:s30+$0xFFFFFFE0]  }
0x22: {  	v5 =	vld [tilespmem:s31+$0xFFFFFFE0]  }
0x23: {  	v6 =	vld [tilespmem:s8+$0xFFFFFFE0]  }
0x24: {  	v7 =	vld [tilespmem:s29+$0xFFFFFFF0]  }
0x25: {  	v8 =	vld [tilespmem:s30+$0xFFFFFFF0]  }
0x26: {  	v9 =	vld [tilespmem:s30+$0x0]  }
0x27: {  	v11 =	vld [tilespmem:s31+$0x0]  }
0x28: {  	v12 =	vld [tilespmem:s8+$0x0]  }
0x29: {  	s11 =	simm.s32 $0xA60;
	v13 =	vld [tilespmem:s29+$0xFFFFFFE0]  }
0x2a: {  	s6 =	simm.s32 $0x60;
	v14 =	vld [tilespmem:s11+$0x10]  }
0x2b: {  	s7 =	simm.s32 $0xF60;
	v15 =	vld [tilespmem:s6+$0x10]  }
0x2c: {  	v16 =	vld [tilespmem:s7+$0x10]  }
0x2d: {  	v18 =	vld [tilespmem:s7+$0xFFFFFFE0]  }
0x2e: {  	v20 =	vld [tilespmem:s11+$0xFFFFFFF0]  }
0x2f: {  	v60 =	vld [tilespmem:s6+$0xFFFFFFF0]  }
0x30: {  	v0 =	vsub.f32 v0, v1;
	v1 =	vsub.f32 v2, v3;
	v3 =	vld [tilespmem:s8+$0xFFFFFFF0];
	s8 =	simm.s32 $0x560  }
0x31: {  	v17 =	vld [tilespmem:s8+$0x10]  }
0x32: {  	v61 =	vld [tilespmem:s7+$0xFFFFFFF0]  }
0x33: {  	v63 =	vld [tilespmem:s6+$0x0]  }
0x34: {  	v2 =	vld [tilespmem:s31+$0xFFFFFFF0]  }
0x35: {  	v7 =	vsub.f32 v7, v8;
	v8 =	vld [tilespmem:s11+$0x0]  }
0x36: {  	v14 =	vsub.f32 v14, v15;
	v0 =	vmul.f32 v1, v0;
	v1 =	vld [tilespmem:s29+$0x0];
	v16 =	vsub.f32 v16, v17  }
0x37: {  	s10 =	simm.s32 $0x1920;
	v19 =	vld [tilespmem:s8+$0xFFFFFFE0]  }
0x38: {  	s4 =	simm.s32 $0x1420;
	v62 =	vld [tilespmem:s8+$0xFFFFFFF0];
	[tilespmem:s10+$0x10] =	vst v0;
	v14 =	vmul.f32 v16, v14  }
0x39: {  	s9 =	simm.s32 $0x1960;
	v10 =	vld [tilespmem:s4+$0x10];
	v2 =	vsub.f32 v2, v3  }
0x3a: {  	s5 =	simm.s32 $0x1460;
	v4 =	vsub.f32 v13, v4;
	v0 =	vld [tilespmem:s6+$0xFFFFFFE0];
	v3 =	vsub.f32 v5, v6;
	[tilespmem:s9+$0x10] =	vst v14  }
0x3b: {  	v2 =	vmul.f32 v2, v7;
	v1 =	vsub.f32 v1, v9;
	v7 =	vsub.f32 v11, v12;
	v14 =	vld [tilespmem:s5+$0x10]  }
0x3c: {  	v5 =	vld [tilespmem:s7+$0x0];
	v3 =	vmul.f32 v3, v4  }
0x3d: {  	v6 =	vld [tilespmem:s8+$0x0];
	v4 =	vsub.f32 v61, v62;
	[tilespmem:s10+$0xFFFFFFF0] =	vst v2;
	v2 =	vsub.f32 v20, v60;
	v1 =	vmul.f32 v7, v1  }
0x3e: {  	[tilespmem:s10+$0xFFFFFFE0] =	vst v3;
	v7 =	vld [tilespmem:s11+$0xFFFFFFE0];
	vm0 =	vgt.f32 v10, $5.000000070e-02  }
0x3f: {  	v3 =	vld [tilespmem:s4+$0xFFFFFFE0];
	v9 =	vnsel vm0, $0xFF800000, v10;
	v4 =	vmul.f32 v4, v2;
	[tilespmem:s10+$0x0] =	vst v1  }
0x40: {  	v2 =	vld [tilespmem:s4+$0xFFFFFFF0];
	[tilespmem:s4+$0x10] =	vst v9;
	vm15 =	vgt.f32 v14, $5.000000070e-02  }
0x41: {  	s3 =	sadd.s32 $0x3200, s3;
	v8 =	vsub.f32 v8, v63;
	s11 =	simm.s32 $0xAA0;
	v1 =	vsub.f32 v18, v19;
	s10 =	simm.s32 $0x40;
	[tilespmem:s9+$0xFFFFFFF0] =	vst v4;
	v4 =	vld [tilespmem:s4+$0x0];
	v9 =	vnsel vm15, $0xFF800000, v14  }
.LBB2_1:
0x42: {  	v10 =	vld [tilespmem:s11+$0x10];
	v5 =	vsub.f32 v5, v6;
	[tilespmem:s5+$0x10] =	vst v9;
	s6 =	sadd.s32 $0x40, s6  }
0x43: {  	s7 =	sadd.s32 $0x40, s7;
	v6 =	vld [tilespmem:s6+$0x10];
	v0 =	vsub.f32 v7, v0  }
0x44: {  	s8 =	sadd.s32 $0x40, s8;
	v7 =	vld [tilespmem:s7+$0x10];
	v5 =	vmul.f32 v5, v8;
	vm0 =	vgt.f32 v3, $5.000000070e-02  }
0x45: {  	s10 =	sadd.s32 $0x40, s10;
	v8 =	vld [tilespmem:s8+$0x10];
	v1 =	vmul.f32 v1, v0;
	v3 =	vnsel vm0, $0xFF800000, v3;
	vm0 =	vgt.f32 v2, $5.000000070e-02  }
0x46: {  	p0 =	slt.u32 s10, $0x480;
	v0 =	vld [tilespmem:s6+$0xFFFFFFE0];
	[tilespmem:s9+$0x0] =	vst v5;
	v2 =	vnsel vm0, $0xFF800000, v2;
	vm0 =	vgt.f32 v4, $5.000000070e-02  }
0x47: {  	v5 =	vld [tilespmem:s7+$0xFFFFFFE0];
	[tilespmem:s9+$0xFFFFFFE0] =	vst v1;
	v1 =	vnsel vm0, $0xFF800000, v4  }
0x48: {  	v4 =	vld [tilespmem:s8+$0xFFFFFFE0];
	[tilespmem:s4+$0xFFFFFFE0] =	vst v3  }
0x49: {  	v3 =	vld [tilespmem:s11+$0xFFFFFFF0];
	[tilespmem:s4+$0xFFFFFFF0] =	vst v2  }
0x4a: {  	v6 =	vsub.f32 v10, v6;
	v2 =	vld [tilespmem:s6+$0xFFFFFFF0];
	v7 =	vsub.f32 v7, v8;
	[tilespmem:s4+$0x0] =	vst v1;
	s4 =	smov.u32 s5  }
0x4b: {  	v8 =	vld [tilespmem:s7+$0xFFFFFFF0]  }
0x4c: {  	v9 =	vld [tilespmem:s8+$0xFFFFFFF0];
	v6 =	vmul.f32 v7, v6  }
0x4d: {  	s9 =	sadd.s32 $0x40, s9;
	v1 =	vsub.f32 v5, v4;
	v4 =	vld [tilespmem:s11+$0x0]  }
0x4e: {  	s5 =	sadd.s32 $0x40, s5;
	v10 =	vld [tilespmem:s6+$0x0];
	[tilespmem:s9+$0x10] =	vst v6  }
0x4f: {  	v2 =	vsub.f32 v3, v2;
	v11 =	vld [tilespmem:s5+$0x10]  }
0x50: {  	v5 =	vld [tilespmem:s7+$0x0]  }
.Ltmp0:
0x51: {  	v3 =	vsub.f32 v8, v9;
	v6 =	vld [tilespmem:s8+$0x0];
	(pc) =	sbr.rel @p0 .LBB2_1-.Ltmp0, $4  }
0x52: {  	v7 =	vld [tilespmem:s11+$0xFFFFFFE0]  }
0x53: {  	v9 =	vmul.f32 v3, v2;
	v8 =	vsub.f32 v4, v10;
	v3 =	vld [tilespmem:s4+$0xFFFFFFE0]  }
0x54: {  	vm0 =	vgt.f32 v11, $5.000000070e-02;
	v2 =	vld [tilespmem:s4+$0xFFFFFFF0]  }
0x55: {  	s11 =	sadd.s32 $0x40, s11;
	[tilespmem:s9+$0xFFFFFFF0] =	vst v9;
	v9 =	vnsel vm0, $0xFF800000, v11;
	v4 =	vld [tilespmem:s4+$0x0]  }
0x56: {  	v5 =	vsub.f32 v5, v6  }
0x57: {  	v0 =	vsub.f32 v7, v0  }
0x58: {  	v59 =	vmul.f32 v5, v8  }
0x59: {  	v0 =	vmul.f32 v1, v0  }
0x5a: {  	v60 =	vld [tilespmem:s5+$0xFFFFFFF0];
	[tilespmem:s9+$0x0] =	vst v59  }
0x5b: {  	[tilespmem:s9+$0xFFFFFFE0] =	vst v0;
	v61 =	vld [tilespmem:s5+$0x0]  }
0x5c: {  	vm0 =	vgt.f32 v3, $5.000000070e-02;
	v0 =	vld [tilespmem:s5+$0xFFFFFFE0]  }
0x5d: {  	[tilespmem:s5+$0x10] =	vst v9;
	v3 =	vnsel vm0, $0xFF800000, v3;
	vm11 =	vgt.f32 v2, $5.000000070e-02  }
0x5e: {  	v2 =	vnsel vm11, $0xFF800000, v2;
	vm12 =	vgt.f32 v4, $5.000000070e-02;
	[tilespmem:s4+$0xFFFFFFE0] =	vst v3  }
0x5f: {  	v62 =	vnsel vm12, $0xFF800000, v4;
	[tilespmem:s4+$0xFFFFFFF0] =	vst v2;
	vm14 =	vgt.f32 v60, $5.000000070e-02  }
0x60: {  	[tilespmem:s4+$0x0] =	vst v62;
	v1 =	vnsel vm14, $0xFF800000, v60;
	vm15 =	vgt.f32 v61, $5.000000070e-02  }
0x61: {  	s6 =	simm.s32 $0x18C0;
	[tilespmem:s5+$0xFFFFFFF0] =	vst v1;
	vm13 =	vgt.f32 v0, $5.000000070e-02;
	v63 =	vnsel vm15, $0xFF800000, v61  }
0x62: {  	s7 =	simm.s32 $0x1DC0;
	s8 =	simm.s32 $0x9C0;
	s10 =	simm.s32 $0xEC0;
	v0 =	vnsel vm13, $0xFF800000, v0;
	[tilespmem:s5+$0x0] =	vst v63  }
0x63: {  	s9 =	simm.s32 $0x4C0;
	s4 =	simm.s32 $0x4B0;
	[tilespmem:s5+$0xFFFFFFE0] =	vst v0;
	s5 =	simm.s32 $0x13C0  }
.LBB2_3:
0x64: {  	v0 =	vld [tilespmem:s10+$0x0]  }
0x65: {  	v1 =	vld [tilespmem:s9+$0x0]  }
0x66: {  	v2 =	vld [tilespmem:s5+$0x0]  }
0x67: {  	v3 =	vld [tilespmem:s8+$0x0];
	_ =	sdelay $0x4  }
0x68: {  	v0 =	vsub.f32 v0, v1;
	v63 =	vsub.f32 v2, v3;
	_ =	sdelay $0x1  }
0x69: {  	v0 =	vmul.f32 v63, v0;
	_ =	sdelay $0x1  }
0x6a: {  	[tilespmem:s7+$0x0] =	vst v0  }
0x6b: {  	v0 =	vld [tilespmem:s6+$0x0]  }
0x6c: {  	s4 =	sadd.s32 $0x10, s4  }
0x6d: {  	p0 =	slt.u32 s4, $0x4E0  }
.Ltmp1:
0x6e: {  	_ = 	snop;
	(pc) =	sbr.rel @p0 .LBB2_3-.Ltmp1, $4  }
0x6f: {  	_ = 	snop  }
0x70: {  	vm0 =	vgt.f32 v0, $5.000000070e-02  }
0x71: {  	s8 =	sadd.s32 $0x10, s8;
	s5 =	sadd.s32 $0x10, s5;
	s9 =	sadd.s32 $0x10, s9;
	v0 =	vnsel vm0, $0xFF800000, v0  }
0x72: {  	s10 =	sadd.s32 $0x10, s10;
	s7 =	sadd.s32 $0x10, s7;
	[tilespmem:s6+$0x0] =	vst v0;
	s6 =	sadd.s32 $0x10, s6  }
0x73: {  	s6 =	simm.s32 $0xF20  }
0x74: {  	s4 =	simm.s32 $0x10;
	v0 =	vld [tilespmem:s6+$0xFFFFFFF0]  }
0x75: {  	s7 =	simm.s32 $0x510;
	v1 =	vld [tilespmem:s4+$0x0]  }
0x76: {  	v2 =	vld [tilespmem:s7+$0x0]  }
0x77: {  	s8 =	simm.s32 $0xA20;
	v3 =	vld [tilespmem:s7+$0xFFFFFFF0]  }
0x78: {  	v4 =	vld [tilespmem:s8+$0xFFFFFFE0]  }
0x79: {  	v5 =	vld [tilespmem:s6+$0xFFFFFFE0]  }
0x7a: {  	v6 =	vld [tilespmem:s4+$0xFFFFFFF0]  }
0x7b: {  	s5 =	simm.s32 $0x1920;
	v7 =	vld [tilespmem:s8+$0xFFFFFFF0]  }
0x7c: {  	v8 =	vld [tilespmem:s5+$0xFFFFFFE0]  }
0x7d: {  	v9 =	vld [tilespmem:s4+$0x10]  }
0x7e: {  	v10 =	vld [tilespmem:s5+$0xFFFFFFF0]  }
0x7f: {  	v11 =	vld [tilespmem:s7+$0x10]  }
0x80: {  	v12 =	vld [tilespmem:s8+$0x0]  }
0x81: {  	s9 =	simm.s32 $0x540;
	v13 =	vld [tilespmem:s6+$0x0]  }
0x82: {  	s29 =	simm.s32 $0x40;
	v15 =	vld [tilespmem:s9+$0x0]  }
0x83: {  	s30 =	simm.s32 $0x1950;
	v16 =	vld [tilespmem:s29+$0xFFFFFFF0];
	v14 =	vmin.f32 v0, $-1.000000000e+09;
	v2 =	vmax.f32 v2, $1.000000000e+09  }
0x84: {  	s28 =	simm.s32 $0xF50;
	v18 =	vld [tilespmem:s30+$0xFFFFFFF0];
	v1 =	vmax.f32 v1, $1.000000000e+09;
	v7 =	vmin.f32 v7, $-1.000000000e+09;
	v4 =	vmin.f32 v4, $-1.000000000e+09  }
0x85: {  	s13 =	simm.s32 $0x1980;
	v20 =	vld [tilespmem:s28+$0x0];
	v6 =	vmax.f32 v6, $1.000000000e+09;
	v2 =	vsub.f32 v14, v2;
	v1 =	vsub.f32 v7, v1  }
0x86: {  	s11 =	simm.s32 $0x570;
	v26 =	vld [tilespmem:s13+$0xFFFFFFF0];
	v3 =	vmax.f32 v3, $1.000000000e+09;
	v5 =	vmin.f32 v5, $-1.000000000e+09;
	v4 =	vsub.f32 v4, v6  }
0x87: {  	v27 =	vld [tilespmem:s11+$0x10];
	v3 =	vsub.f32 v5, v3;
	v2 =	vmax.f32 v2, $0.0e+00;
	v1 =	vmax.f32 v1, $0.0e+00  }
0x88: {  	v14 =	vld [tilespmem:s28+$0xFFFFFFF0];
	v2 =	vmul.f32 v2, v1;
	v1 =	vadd.f32 $3.999999940e+18, v10  }
0x89: {  	s10 =	simm.s32 $0xA50;
	v19 =	vimm.f32 $-Inf;
	v6 =	vld [tilespmem:s9+$0xFFFFFFF0];
	v4 =	vmax.f32 v4, $0.0e+00;
	v3 =	vmax.f32 v3, $0.0e+00  }
0x8a: {  	v8 =	vadd.f32 $3.999999940e+18, v8;
	v5 =	vld [tilespmem:s10+$0xFFFFFFE0];
	v17 =	vmul.f32 v3, v4;
	v1 =	vsub.f32 v1, v2  }
0x8b: {  	v21 =	vimm.s32 $0x0;
	v11 =	vmax.f32 v11, $1.000000000e+09;
	v9 =	vmax.f32 v9, $1.000000000e+09;
	v7 =	vld [tilespmem:s29+$0x0]  }
0x8c: {  	v12 =	vmin.f32 v12, $-1.000000000e+09;
	v3 =	vld [tilespmem:s10+$0xFFFFFFF0];
	v8 =	vsub.f32 v8, v17;
	v1 =	vadd.f32 $9.999999710e-10, v1  }
0x8d: {  	v15 =	vmax.f32 v15, $1.000000000e+09;
	v16 =	vmax.f32 v16, $1.000000000e+09;
	v9 =	vsub.f32 v12, v9;
	v10 =	vld [tilespmem:s28+$0xFFFFFFE0]  }
0x8e: {  	v4 =	vmin.f32 v13, $-1.000000000e+09;
	v13 =	vld [tilespmem:s30+$0xFFFFFFE0];
	v8 =	vadd.f32 $9.999999710e-10, v8;
	(erf) = vrcp.f32 v1  }
0x8f: {  	v4 =	vsub.f32 v4, v11;
	v11 =	vld [tilespmem:s29+$0x10];
	v6 =	vmax.f32 v6, $1.000000000e+09;
	v5 =	vmin.f32 v5, $-1.000000000e+09  }
0x90: {  	v7 =	vmax.f32 v7, $1.000000000e+09;
	v1 =	vmin.f32 v14, $-1.000000000e+09;
	(erf) = vrcp.f32 v8;
	v8 =	vld [tilespmem:s5+$0x0]  }
0x91: {  	s12 =	simm.s32 $0xA80;
	v4 =	vmax.f32 v4, $0.0e+00;
	v14 =	vld [tilespmem:s9+$0x10];
	v15 =	vsub.f32 v1, v15;
	v1 =	vmin.f32 v3, $-1.000000000e+09  }
0x92: {  	v28 =	vld [tilespmem:s12+$0x0];
	v5 =	vsub.f32 v5, v16;
	v10 =	vmin.f32 v10, $-1.000000000e+09;
	v7 =	vsub.f32 v1, v7  }
0x93: {  	s4 =	simm.s32 $0x1420;
	v12 =	vld [tilespmem:s10+$0x0];
	v6 =	vsub.f32 v10, v6;
	v3 =	vmax.f32 v9, $0.0e+00;
	v9 =	vadd.f32 $3.999999940e+18, v13  }
0x94: {  	v16 =	vld [tilespmem:s4+$0xFFFFFFF0];
	v3 =	vmul.f32 v4, v3;
	v4 =	vmax.f32 v15, $0.0e+00;
	v7 =	vmax.f32 v7, $0.0e+00  }
0x95: {  	s31 =	simm.s32 $0xF80;
	v13 =	vadd.f32 $3.999999940e+18, v18;
	v18 =	vld [tilespmem:s11+$0x0];
	v22 =	vmul.f32 v4, v7;
	v4 =	vadd.f32 $3.999999940e+18, v8  }
0x96: {  	v5 =	vmax.f32 v5, $0.0e+00;
	v7 =	vld [tilespmem:s31+$0xFFFFFFF0];
	v10 =	vmax.f32 v14, $1.000000000e+09;
	v8 =	vmax.f32 v11, $1.000000000e+09  }
0x97: {  	v15 =	vld [tilespmem:s4+$0xFFFFFFE0];
	v13 =	vsub.f32 v13, v22;
	v23 =	vsub.f32 v4, v3;
	v4 =	vmax.f32 v6, $0.0e+00;
	v14 =	vpop (erf)  }
0x98: {  	s9 =	simm.s32 $0x70;
	v6 =	vmin.f32 v12, $-1.000000000e+09;
	v12 =	vld [tilespmem:s11+$0xFFFFFFF0];
	v4 =	vmul.f32 v4, v5;
	v2 =	vmul.f32 v14, v2  }
0x99: {  	v11 =	vld [tilespmem:s9+$0x0];
	v5 =	vmin.f32 v20, $-1.000000000e+09;
	v13 =	vadd.f32 $9.999999710e-10, v13;
	v6 =	vsub.f32 v6, v8  }
0x9a: {  	v14 =	vld [tilespmem:s12+$0xFFFFFFE0];
	v20 =	vadd.f32 $9.999999710e-10, v23;
	v9 =	vsub.f32 v9, v4;
	vm0 =	vgt.f32 v2, $5.000000000e-01  }
0x9b: {  	v5 =	vsub.f32 v5, v10;
	v7 =	vmin.f32 v7, $-1.000000000e+09;
	v10 =	vpop (erf);
	v2 =	vsel vm0, $0xFF800000, v16;
	v16 =	vld [tilespmem:s12+$0xFFFFFFF0]  }
0x9c: {  	v23 =	vld [tilespmem:s9+$0xFFFFFFF0];
	(erf) = vrcp.f32 v13;
	v8 =	vmul.f32 v10, v17;
	v9 =	vadd.f32 $9.999999710e-10, v9  }
0x9d: {  	v0 =	vld [tilespmem:s4+$0x0];
	v6 =	vmax.f32 v6, $0.0e+00;
	(erf) = vrcp.f32 v20;
	v13 =	vmax.f32 v12, $1.000000000e+09  }
0x9e: {  	v24 =	vld [tilespmem:s9+$0x10];
	v12 =	vmax.f32 v18, $1.000000000e+09;
	vm15 =	vgt.f32 v8, $5.000000000e-01;
	(erf) = vrcp.f32 v9  }
0x9f: {  	v20 =	vld [tilespmem:s13+$0xFFFFFFE0];
	v5 =	vmax.f32 v5, $0.0e+00;
	v7 =	vsub.f32 v7, v12;
	v15 =	vsel vm15, $0xFF800000, v15  }
0xa0: {  	v10 =	vld [tilespmem:s31+$0xFFFFFFE0];
	v25 =	vmin.f32 v14, $-1.000000000e+09;
	v9 =	vmax.f32 v11, $1.000000000e+09;
	v11 =	vmin.f32 v16, $-1.000000000e+09  }
0xa1: {  	v17 =	vld [tilespmem:s31+$0x0];
	v8 =	vmax.f32 v23, $1.000000000e+09;
	v14 =	vmul.f32 v5, v6;
	v9 =	vsub.f32 v11, v9  }
0xa2: {  	s5 =	simm.s32 $0x1450;
	v18 =	vld [tilespmem:s30+$0x0];
	vm0 =	vgt.f32 v15, v19;
	v23 =	vadd.f32 $3.999999940e+18, v26;
	v6 =	vsub.f32 v25, v8  }
0xa3: {  	v1 =	vld [tilespmem:s5+$0x0];
	v5 =	vmax.f32 v7, $0.0e+00;
	v8 =	vsel vm0, v15, v19;
	v7 =	vmax.f32 v9, $0.0e+00  }
0xa4: {  	s14 =	simm.s32 $0x90;
	s10 =	simm.s32 $0x1480;
	v12 =	vadd.f32 $3.999999940e+18, v20;
	v20 =	vmax.f32 v6, $0.0e+00;
	v6 =	vld [tilespmem:s5+$0xFFFFFFE0];
	v5 =	vmul.f32 v5, v7  }
0xa5: {  	s15 =	simm.s32 $0xFB0;
	s7 =	simm.s32 $0x0;
	[tilespmem:s4+$0xFFFFFFE0] =	vst v15;
	v15 =	vmin.f32 v28, $-1.000000000e+09;
	v16 =	vmax.f32 v27, $1.000000000e+09;
	v11 =	vmax.f32 v24, $1.000000000e+09;
	v19 =	vpop (erf);
	v9 =	vld [tilespmem:s10+$0x0]  }
0xa6: {  	s16 =	simm.s32 $0x1980;
	s6 =	simm.s32 $0x30;
	s8 =	simm.s32 $0x60;
	[tilespmem:s4+$0xFFFFFFF0] =	vst v2;
	v22 =	vmul.f32 v19, v22;
	v19 =	vld [tilespmem:s5+$0xFFFFFFF0];
	v7 =	vsel vm0, s7, v21;
	v21 =	vpop (erf);
	v23 =	vsub.f32 v23, v5  }
.LBB2_5:
0xa7: {  	v24 =	vld [tilespmem:s15+$0xFFFFFFF0];
	v10 =	vmin.f32 v10, $-1.000000000e+09;
	v17 =	vmin.f32 v17, $-1.000000000e+09;
	s11 =	sadd.s32 $0x30, s11;
	s12 =	sadd.s32 $0x30, s12;
	s9 =	sadd.s32 $0x30, s9;
	v18 =	vadd.f32 $3.999999940e+18, v18;
	v25 =	vpop (erf)  }
0xa8: {  	p0 =	slt.u32 s14, $0x4B0;
	v21 =	vmul.f32 v21, v3;
	v3 =	vmovc v14;
	s17 =	smov.u32 s14;
	s14 =	sadd.s32 $0x30, s14;
	v26 =	vld [tilespmem:s9+$0x0];
	v10 =	vsub.f32 v10, v13;
	v13 =	vadd.f32 $9.999999710e-10, v23  }
0xa9: {  	vm1 =	vgt.f32 v2, v8;
	vm0 =	vgt.f32 v22, $5.000000000e-01;
	v14 =	vld [tilespmem:s11+$0x0];
	v18 =	vsub.f32 v18, v3  }
0xaa: {  	vm2 =	vgt.f32 v21, $5.000000000e-01;
	v22 =	vld [tilespmem:s11+$0xFFFFFFF0];
	v10 =	vmax.f32 v10, $0.0e+00;
	(erf) = vrcp.f32 v13  }
0xab: {  	s18 =	sadd.s32 $0x10, s7;
	v8 =	vsel vm1, v2, v8;
	v21 =	vld [tilespmem:s12+$0xFFFFFFE0];
	v20 =	vmul.f32 v10, v20;
	v2 =	vsel vm0, $0xFF800000, v19  }
0xac: {  	v7 =	vsel vm1, s18, v7;
	v13 =	vadd.f32 $9.999999710e-10, v18;
	v18 =	vsel vm2, $0xFF800000, v0;
	v0 =	vmovc v1;
	v1 =	vmovc v9;
	v10 =	vld [tilespmem:s15+$0xFFFFFFE0];
	[tilespmem:s5+$0xFFFFFFF0] =	vst v2  }
0xad: {  	v16 =	vsub.f32 v17, v16;
	s18 =	sadd.s32 $0x20, s7;
	s7 =	smov.u32 s6;
	s6 =	smov.u32 s8;
	vm0 =	vgt.f32 v18, v8;
	v9 =	vld [tilespmem:s9+$0xFFFFFFF0];
	v12 =	vsub.f32 v12, v20;
	[tilespmem:s4+$0x0] =	vst v18  }
0xae: {  	s13 =	sadd.s32 $0x30, s13;
	s8 =	smov.u32 s17;
	v19 =	vmin.f32 v24, $-1.000000000e+09;
	v8 =	vsel vm0, v18, v8;
	s4 =	smov.u32 s5;
	v17 =	vld [tilespmem:s12+$0xFFFFFFF0];
	(erf) = vrcp.f32 v13  }
0xaf: {  	v16 =	vmax.f32 v16, $0.0e+00;
	v7 =	vsel vm0, s18, v7;
	s5 =	smov.u32 s10;
	v18 =	vld [tilespmem:s13+$0xFFFFFFE0];
	v12 =	vadd.f32 $9.999999710e-10, v12  }
0xb0: {  	v11 =	vsub.f32 v15, v11;
	v15 =	vmul.f32 v25, v4;
	v4 =	vmovc v20;
	v13 =	vmax.f32 v22, $1.000000000e+09;
	v22 =	vld [tilespmem:s9+$0x10]  }
0xb1: {  	v14 =	vmax.f32 v14, $1.000000000e+09;
	v20 =	vmin.f32 v21, $-1.000000000e+09;
	v21 =	vld [tilespmem:s13+$0xFFFFFFF0];
	(erf) = vrcp.f32 v12  }
0xb2: {  	v23 =	vmax.f32 v26, $1.000000000e+09;
	vm0 =	vgt.f32 v15, $5.000000000e-01;
	v19 =	vsub.f32 v19, v14;
	v24 =	vld [tilespmem:s11+$0x10]  }
0xb3: {  	v11 =	vmax.f32 v11, $0.0e+00;
	v9 =	vmax.f32 v9, $1.000000000e+09;
	v14 =	vmin.f32 v17, $-1.000000000e+09;
	v15 =	vld [tilespmem:s12+$0x0];
	v25 =	vpop (erf)  }
0xb4: {  	v12 =	vadd.f32 $3.999999940e+18, v18;
	v23 =	vsub.f32 v14, v23;
	v17 =	vld [tilespmem:s15+$0x0];
	v14 =	vmul.f32 v16, v11  }
.Ltmp2:
0xb5: {  	s10 =	sadd.s32 $0x30, s10;
	v6 =	vsel vm0, $0xFF800000, v6;
	v16 =	vmax.f32 v19, $0.0e+00;
	v11 =	vmax.f32 v22, $1.000000000e+09;
	v18 =	vld [tilespmem:s16+$0x0];
	s16 =	smov.u32 s13;
	(pc) =	sbr.rel @p0 .LBB2_5-.Ltmp2, $4  }
0xb6: {  	vm0 =	vgt.f32 v6, v8;
	v19 =	vsub.f32 v20, v9;
	v20 =	vmax.f32 v23, $0.0e+00;
	v9 =	vld [tilespmem:s10+$0x0];
	[tilespmem:s4+$0xFFFFFFE0] =	vst v6  }
0xb7: {  	v8 =	vsel vm0, v6, v8;
	v22 =	vadd.f32 $3.999999940e+18, v21;
	v26 =	vmul.f32 v16, v20;
	v21 =	vpop (erf)  }
0xb8: {  	v7 =	vsel vm0, s7, v7;
	v20 =	vmax.f32 v19, $0.0e+00;
	v16 =	vmax.f32 v24, $1.000000000e+09;
	v6 =	vld [tilespmem:s5+$0xFFFFFFE0]  }
0xb9: {  	s15 =	sadd.s32 $0x30, s15;
	v15 =	vmin.f32 v15, $-1.000000000e+09;
	v23 =	vsub.f32 v22, v26;
	v22 =	vmul.f32 v25, v5;
	v19 =	vld [tilespmem:s5+$0xFFFFFFF0];
	v5 =	vmovc v26  }
0xba: {  	v10 =	vmin.f32 v10, $-1.000000000e+09;
	v24 =	vld [tilespmem:s16+$0x0]  }
0xbb: {  	v17 =	vmin.f32 v17, $-1.000000000e+09;
	v10 =	vsub.f32 v10, v13  }
0xbc: {  	v11 =	vsub.f32 v15, v11;
	v43 =	vsub.f32 v17, v16  }
0xbd: {  	v44 =	vadd.f32 $3.999999940e+18, v18;
	v10 =	vmax.f32 v10, $0.0e+00  }
0xbe: {  	v11 =	vmax.f32 v11, $0.0e+00;
	v13 =	vmax.f32 v43, $0.0e+00;
	v10 =	vmul.f32 v10, v20  }
0xbf: {  	v15 =	vsub.f32 v44, v14;
	v11 =	vmul.f32 v13, v11;
	v45 =	vadd.f32 $3.999999940e+18, v24  }
0xc0: {  	v46 =	vadd.f32 $9.999999710e-10, v23;
	v12 =	vsub.f32 v12, v10  }
0xc1: {  	v15 =	vadd.f32 $9.999999710e-10, v15;
	v13 =	vsub.f32 v45, v11  }
0xc2: {  	(erf) = vrcp.f32 v46;
	v12 =	vadd.f32 $9.999999710e-10, v12  }
0xc3: {  	(erf) = vrcp.f32 v15;
	v13 =	vadd.f32 $9.999999710e-10, v13  }
0xc4: {  	(erf) = vrcp.f32 v12  }
0xc5: {  	(erf) = vrcp.f32 v13;
	_ =	sdelay $0x3  }
0xc6: {  	v3 =	vmul.f32 v21, v3  }
0xc7: {  	v47 =	vpop (erf);
	v48 =	vld [tilespmem:s10+$0xFFFFFFF0]  }
0xc8: {  	v4 =	vmul.f32 v47, v4;
	vm1 =	vgt.f32 v3, $5.000000000e-01;
	v49 =	vpop (erf)  }
0xc9: {  	v51 =	vld [tilespmem:s10+$0xFFFFFFE0];
	vm0 =	vgt.f32 v22, $5.000000000e-01;
	v0 =	vsel vm1, $0xFF800000, v0;
	v5 =	vmul.f32 v49, v5;
	v50 =	vpop (erf)  }
0xca: {  	v3 =	vsel vm0, $0xFF800000, v19;
	vm0 =	vgt.f32 v4, $5.000000000e-01;
	[tilespmem:s4+$0x0] =	vst v0;
	v12 =	vmul.f32 v50, v14;
	v52 =	vpop (erf)  }
0xcb: {  	[tilespmem:s5+$0xFFFFFFF0] =	vst v3;
	v6 =	vsel vm0, $0xFF800000, v6;
	vm0 =	vgt.f32 v5, $5.000000000e-01;
	v4 =	vmul.f32 v52, v10;
	v53 =	vpop (erf)  }
0xcc: {  	[tilespmem:s5+$0xFFFFFFE0] =	vst v6;
	v54 =	vsel vm0, $0xFF800000, v48;
	vm1 =	vgt.f32 v12, $5.000000000e-01;
	v5 =	vmul.f32 v53, v11  }
0xcd: {  	[tilespmem:s10+$0xFFFFFFF0] =	vst v54;
	v1 =	vsel vm1, $0xFF800000, v1;
	vm0 =	vgt.f32 v4, $5.000000000e-01  }
0xce: {  	[tilespmem:s5+$0x0] =	vst v1;
	v4 =	vsel vm0, $0xFF800000, v51;
	vm0 =	vgt.f32 v5, $5.000000000e-01  }
0xcf: {  	[tilespmem:s10+$0xFFFFFFE0] =	vst v4;
	v5 =	vsel vm0, $0xFF800000, v9  }
0xd0: {  	[tilespmem:s10+$0x0] =	vst v5  }
0xd1: {  	v55 =	vld [tilespmem:$0x4E0]  }
0xd2: {  	v56 =	vld [tilespmem:$0x9E0]  }
0xd3: {  	v57 =	vld [tilespmem:$0xEE0]  }
0xd4: {  	v58 =	vld [tilespmem:$0x13E0];
	_ =	sdelay $0x3  }
0xd5: {  	v59 =	vld [tilespmem:$0x1DE0];
	v9 =	vmax.f32 v55, $1.000000000e+09  }
0xd6: {  	v11 =	vmax.f32 v56, $1.000000000e+09;
	v12 =	vmin.f32 v57, $-1.000000000e+09;
	v13 =	vmin.f32 v58, $-1.000000000e+09  }
0xd7: {  	v9 =	vsub.f32 v12, v9;
	v11 =	vsub.f32 v13, v11;
	_ =	sdelay $0x1  }
0xd8: {  	v9 =	vmax.f32 v9, $0.0e+00;
	v11 =	vmax.f32 v11, $0.0e+00  }
0xd9: {  	v60 =	vadd.f32 $3.999999940e+18, v59;
	v9 =	vmul.f32 v11, v9;
	_ =	sdelay $0x1  }
0xda: {  	v11 =	vsub.f32 v60, v9;
	_ =	sdelay $0x1  }
0xdb: {  	vm0 =	vgt.f32 v2, v8;
	v11 =	vadd.f32 $9.999999710e-10, v11  }
0xdc: {  	v2 =	vsel vm0, v2, v8  }
0xdd: {  	vm1 =	vgt.f32 v0, v2;
	(erf) = vrcp.f32 v11  }
0xde: {  	v0 =	vsel vm1, v0, v2  }
0xdf: {  	vm2 =	vgt.f32 v6, v0  }
0xe0: {  	v0 =	vsel vm2, v6, v0  }
0xe1: {  	vm3 =	vgt.f32 v3, v0  }
0xe2: {  	v0 =	vsel vm3, v3, v0  }
0xe3: {  	vm4 =	vgt.f32 v1, v0  }
0xe4: {  	v0 =	vsel vm4, v1, v0  }
0xe5: {  	v1 =	vld [tilespmem:$0x18E0];
	vm5 =	vgt.f32 v4, v0  }
0xe6: {  	v0 =	vsel vm5, v4, v0;
	v2 =	vpop (erf)  }
0xe7: {  	vm6 =	vgt.f32 v54, v0;
	v2 =	vmul.f32 v2, v9  }
0xe8: {  	v0 =	vsel vm6, v54, v0  }
0xe9: {  	vm7 =	vgt.f32 v5, v0;
	vm8 =	vgt.f32 v2, $5.000000000e-01  }
0xea: {  	v0 =	vsel vm7, v5, v0;
	v3 =	vsel vm8, $0xFF800000, v1  }
0xeb: {  	s24 =	sadd.s32 $0x10, s7;
	vm8 =	vgt.f32 v3, v0  }
0xec: {  	s25 =	sadd.s32 $0x20, s7;
	v1 =	vsel vm0, s24, v7;
	v2 =	vsel vm8, v3, v0  }
0xed: {  	v0 =	vsel vm1, s25, v1;
	(xrf0) =	vmax.scan.msk.f32 $0xffff, v2  }
0xee: {  	s26 =	sadd.s32 $0x10, s6;
	v0 =	vsel vm2, s6, v0  }
0xef: {  	s28 =	sadd.s32 $0x20, s6;
	v0 =	vsel vm3, s26, v0  }
0xf0: {  	v0 =	vsel vm4, s28, v0  }
0xf1: {  	s29 =	sadd.s32 $0x10, s8;
	v0 =	vsel vm5, s8, v0  }
0xf2: {  	s30 =	sadd.s32 $0x20, s8;
	v0 =	vsel vm6, s29, v0  }
0xf3: {  	v1 =	vsel vm7, s30, v0;
	v0 =	vlaneseq.u32;
	v61, _, _ =	vpop (xrf0)  }
0xf4: {  	v1 =	vadd.s32 v0, v1;
	v62 =	vbroadcast v61, $0xF  }
0xf5: {  	v63 =	vxor.u32 $0x80000000, v1;
	v1 =	vor.u32 $0x800004E0, v0  }
0xf6: {  	vm0 =	veq.f32 v2, v62;
	v2 =	vsel vm8, v1, v63  }
0xf7: {  	v2 =	vnsel vm0, $0xC0000000, v2  }
0xf8: {  	(xrf0) =	vmin.scan.msk.u32 $0xffff, v2;
	_ =	sdelay $0x5  }
0xf9: {  	(v2sf) =	vpush v61, $0xF;
	v2, _, _ =	vpop (xrf0)  }
0xfa: {  	(v2sf) =	vpush v2, $0xF;
	_ =	sdelay $0xb  }
0xfb: {  	s31 =	sshll.u32 s1, $0x6;
	s7 =	simm.s32 $0xF00;
	s9 =	simm.s32 $0x1E00  }
0xfc: {  	s11 =	simm.s32 $0x1E80;
	s12 =	simm.s32 $0x0;
	s4 =	simm.s32 $0x0;
	vm1 =	vcmask $0x3F10  }
0xfd: {  	s5 =	simm.s32 $0x500;
	s10 =	simm.s32 $0x2;
	vm2 =	vcmask $0x3F0C;
	vm3 =	vcmask $0x3F08;
	vm5 =	vmmov $0x1;
	s13 =	spop (v2sf)  }
0xfe: {  	[tilespmem:$0x18E0] =	vst v3;
	s6 =	simm.s32 $0xA00;
	s8 =	sshrl.u32 s31, $0x2;
	vm6 =	vmxor vm6, vm6;
	vm7 =	vmmov $0x1f;
	v2 =	vmul.u32 $0x10, v0;
	s14 =	spop (v2sf)  }
.LBB2_7:
0xff: {  	s14 =	sxor.u32 $0x80000000, s14  }
0x100: {  	v3 =	vmov s14;
	_ =	sdelay $0x4  }
0x101: {  	v4 =	vld.idx.msk [tilespmem:v3+s7+$0x0], $0xffff  }
0x102: {  	v5 =	vld.idx.msk [tilespmem:v3+s6+$0x0], $0xffff  }
0x103: {  	v6 =	vld.idx.msk [tilespmem:v3+s5+$0x0], $0xffff  }
0x104: {  	v3 =	vld.idx.msk [tilespmem:v3+s4+$0x0], $0xffff  }
0x105: {  	vm0 =	vcmask $0x3F14  }
0x106: {  	v4 =	vsel vm0, $0x0, v4  }
0x107: {  	v4 =	vsel vm1, v4, v5  }
0x108: {  	s19 =	sshll.u32 s12, $0x8;
	v4 =	vsel vm2, v4, v6  }
0x109: {  	vm8 =	veq.s32 v0, $0x0;
	s14 =	sand.u32 $0x100, s19;
	v3 =	vsel vm3, v4, v3  }
0x10a: {  	s20 =	sadd.s32 s14, s2;
	v3 =	vsel vm8, s13, v3  }
0x10b: {  	s14 =	sadd.s32 s8, s20;
	[tilespmem:$0x1E00] =	vst v3  }
0x10c: {  	[spmem:s14] =	stream.linear.scatter [tilespmem:s9], [sflag:$0x2], $0x10, $0x38;
	[tilespmem:$0x2620] =	vst v63  }
0x10d: {  	_ =	swait.ge [sflag:s10], $0x10  }
0x10e: {  	[sflag:s10] =	ssyncset.done $0x0  }
0x10f: {  	[sflag:s10] =	ssyncadd.s32 $0xFFFFFFF0  }
0x110: {  	[bflag:$0x0] =	sbarrier.arrive $0xFFFF  }
0x111: {  	[tilespmem:s11], [sflag:$0x2] =	stream.linear.gather [spmem:s20], $0x100, $0x38;
	[tilespmem:$0x2620] =	vst v63  }
0x112: {  	_ =	swait.ge [sflag:s10], $0x100  }
0x113: {  	[sflag:s10] =	ssyncset.done $0x0  }
0x114: {  	[sflag:s10] =	ssyncadd.s32 $0xFFFFFF00  }
0x115: {  	v3 =	vld.idx.msk [tilespmem:v2+s11+$0x0], $0xffff;
	_ =	sdelay $0x4  }
0x116: {  	(xrf0) =	vmax.scan.msk.f32 $0xffff, v3;
	_ =	sdelay $0x5  }
0x117: {  	v4, _, _ =	vpop (xrf0)  }
0x118: {  	(v2sf) =	vpush v4, $0xF;
	v7 =	vbroadcast v4, $0xF;
	_ =	sdelay $0x1  }
0x119: {  	vm8 =	veq.f32 v3, v7  }
0x11a: {  	v3 =	vmctz.xlane vm8;
	_ =	sdelay $0x1  }
0x11b: {  	v3 =	vshll.u32 v3, $0x4  }
0x11c: {  	v4 =	vor.u32 $0x4, v3  }
0x11d: {  	v5 =	vor.u32 $0x3, v3  }
0x11e: {  	v6 =	vor.u32 $0x2, v3  }
0x11f: {  	v8 =	vor.u32 $0x1, v3;
	_ =	sdelay $0x1  }
0x120: {  	v3 =	vld.idx.msk [tilespmem:v4+s11+$0x0], $0xffff  }
0x121: {  	v4 =	vld.idx.msk [tilespmem:v5+s11+$0x0], $0xffff  }
0x122: {  	v5 =	vld.idx.msk [tilespmem:v6+s11+$0x0], $0xffff  }
0x123: {  	vm0 =	vcmask $0x1310;
	v6 =	vld.idx.msk [tilespmem:v8+s11+$0x0], $0xffff  }
0x124: {  	v7 =	vnsel vm0, $0x0, v7;
	s21 =	spop (v2sf)  }
0x125: {  	p0 =	sgt.f32 s21, $-Inf;
	v7 =	vsel vm1, v7, v3  }
0x126: {  	vm8 =	vmmov vm6;
	v7 =	vsel vm2, v7, v4  }
0x127: {  	v7 =	vsel vm3, v7, v5;
	vm8 =	vmneg @p0 vm8  }
0x128: {  	s22 =	sshll.u32 s12, $0x4;
	v7 =	vsel vm5, v6, v7;
	vm8 =	vmand vm8, vm7  }
0x129: {  	s13 =	sand.u32 $0x3FFFFFF0, s22;
	v7 =	vnsel vm8, $0x0, v7  }
0x12a: {  	s23 =	simm.s32 $0xF20;
	[tilespmem:s13+$0x1F80] =	vst v7  }
0x12b: {  	s24 =	simm.s32 $0x10;
	v8 =	vld [tilespmem:s23+$0xFFFFFFF0]  }
0x12c: {  	s15 =	simm.s32 $0x510;
	v9 =	vld [tilespmem:s24+$0x0]  }
0x12d: {  	v10 =	vld [tilespmem:s15+$0x0]  }
0x12e: {  	s16 =	simm.s32 $0xA20;
	v11 =	vld [tilespmem:s15+$0xFFFFFFF0]  }
0x12f: {  	v12 =	vld [tilespmem:s16+$0xFFFFFFE0]  }
0x130: {  	v13 =	vld [tilespmem:s23+$0xFFFFFFE0]  }
0x131: {  	v14 =	vld [tilespmem:s24+$0xFFFFFFF0]  }
0x132: {  	s17 =	simm.s32 $0x1920;
	v15 =	vld [tilespmem:s16+$0xFFFFFFF0]  }
0x133: {  	v16 =	vld [tilespmem:s17+$0xFFFFFFE0]  }
0x134: {  	v17 =	vld [tilespmem:s24+$0x10]  }
0x135: {  	v19 =	vsub.f32 v3, v5;
	v7 =	vsub.f32 v4, v6;
	v20 =	vld [tilespmem:s15+$0x10]  }
0x136: {  	v21 =	vld [tilespmem:s16+$0x0]  }
0x137: {  	v7 =	vmul.f32 v19, v7;
	v19 =	vld [tilespmem:s23+$0x0];
	v8 =	vmin.f32 v8, v3  }
0x138: {  	v18 =	vld [tilespmem:s17+$0xFFFFFFF0];
	v10 =	vmax.f32 v10, v5;
	v9 =	vmax.f32 v9, v6;
	v15 =	vmin.f32 v15, v4  }
0x139: {  	s25 =	simm.s32 $0xF50;
	v22 =	vld [tilespmem:s17+$0x0];
	v11 =	vmax.f32 v11, v5;
	v12 =	vmin.f32 v12, v4;
	v13 =	vmin.f32 v13, v3  }
0x13a: {  	s29 =	simm.s32 $0xA50;
	v25 =	vld [tilespmem:s25+$0xFFFFFFE0];
	v14 =	vmax.f32 v14, v6;
	v17 =	vmax.f32 v17, v6;
	v20 =	vmax.f32 v20, v5  }
0x13b: {  	v26 =	vld [tilespmem:s29+$0xFFFFFFF0];
	v21 =	vmin.f32 v21, v4;
	v8 =	vsub.f32 v8, v10;
	v9 =	vsub.f32 v15, v9  }
0x13c: {  	s26 =	simm.s32 $0x40;
	v10 =	vld [tilespmem:s25+$0xFFFFFFF0];
	v12 =	vsub.f32 v12, v14;
	v11 =	vsub.f32 v13, v11;
	v19 =	vmin.f32 v19, v3  }
0x13d: {  	s28 =	simm.s32 $0x540;
	v15 =	vld [tilespmem:s26+$0x0];
	v17 =	vsub.f32 v21, v17;
	v19 =	vsub.f32 v19, v20  }
0x13e: {  	v14 =	vld [tilespmem:s28+$0x0];
	v8 =	vmax.f32 v8, $0.0e+00;
	v9 =	vmax.f32 v9, $0.0e+00;
	v12 =	vmax.f32 v12, $0.0e+00  }
0x13f: {  	v13 =	vld [tilespmem:s28+$0xFFFFFFF0];
	v11 =	vmax.f32 v11, $0.0e+00;
	v23 =	vmul.f32 v8, v9;
	v9 =	vadd.f32 v18, v7  }
0x140: {  	v20 =	vld [tilespmem:s26+$0x10];
	v11 =	vmul.f32 v11, v12;
	v12 =	vadd.f32 v16, v7  }
0x141: {  	v17 =	vmax.f32 v17, $0.0e+00;
	v16 =	vld [tilespmem:s26+$0xFFFFFFF0];
	v19 =	vmax.f32 v19, $0.0e+00;
	v9 =	vsub.f32 v9, v23  }
0x142: {  	v18 =	vld [tilespmem:s29+$0xFFFFFFE0];
	v17 =	vmul.f32 v19, v17;
	v12 =	vsub.f32 v12, v11  }
0x143: {  	v27 =	vld [tilespmem:s28+$0x10];
	v10 =	vmin.f32 v10, v3;
	v14 =	vmax.f32 v14, v5;
	v9 =	vadd.f32 $9.999999710e-10, v9  }
0x144: {  	v19 =	vmin.f32 v26, v4;
	v10 =	vsub.f32 v10, v14;
	v14 =	vld [tilespmem:s25+$0x0];
	v12 =	vadd.f32 $9.999999710e-10, v12  }
0x145: {  	s30 =	simm.s32 $0x1950;
	v26 =	vld [tilespmem:s29+$0x0];
	v15 =	vmax.f32 v15, v6;
	v20 =	vmax.f32 v20, v6;
	(erf) = vrcp.f32 v9  }
0x146: {  	s13 =	simm.s32 $0x1420;
	v16 =	vmax.f32 v16, v6;
	v9 =	vadd.f32 v22, v7;
	v22 =	vld [tilespmem:s30+$0xFFFFFFF0];
	(erf) = vrcp.f32 v12  }
0x147: {  	v28 =	vld [tilespmem:s13+$0xFFFFFFF0];
	v12 =	vmax.f32 v13, v5;
	v13 =	vsub.f32 v19, v15;
	v15 =	vmin.f32 v18, v4  }
0x148: {  	v21 =	vld [tilespmem:s30+$0xFFFFFFE0];
	v18 =	vsub.f32 v9, v17;
	v9 =	vmax.f32 v10, $0.0e+00;
	v10 =	vsub.f32 v15, v16  }
0x149: {  	s17 =	simm.s32 $0x70;
	v19 =	vld [tilespmem:s30+$0x0];
	v16 =	vmin.f32 v25, v3;
	v25 =	vmax.f32 v27, v5;
	v14 =	vmin.f32 v14, v3  }
0x14a: {  	s31 =	simm.s32 $0xF80;
	v27 =	vld [tilespmem:s17+$0x0];
	v13 =	vmax.f32 v13, $0.0e+00;
	v12 =	vsub.f32 v16, v12;
	v16 =	vmin.f32 v26, v4  }
0x14b: {  	s19 =	simm.s32 $0xA80;
	v14 =	vsub.f32 v14, v25;
	v9 =	vmul.f32 v9, v13;
	v13 =	vadd.f32 v22, v7;
	v22 =	vld [tilespmem:s31+$0xFFFFFFF0]  }
0x14c: {  	s18 =	simm.s32 $0x570;
	v29 =	vld [tilespmem:s19+$0xFFFFFFE0];
	v18 =	vadd.f32 $9.999999710e-10, v18;
	v10 =	vmax.f32 v10, $0.0e+00;
	v12 =	vmax.f32 v12, $0.0e+00  }
0x14d: {  	v25 =	vld [tilespmem:s18+$0xFFFFFFF0];
	v10 =	vmul.f32 v12, v10;
	v12 =	vadd.f32 v21, v7;
	v13 =	vsub.f32 v13, v9  }
0x14e: {  	v16 =	vsub.f32 v16, v20;
	(erf) = vrcp.f32 v18;
	v20 =	vadd.f32 v19, v7;
	v21 =	vld [tilespmem:s17+$0xFFFFFFF0]  }
0x14f: {  	v24 =	vimm.f32 $-Inf;
	v15 =	vld [tilespmem:s13+$0xFFFFFFE0];
	v12 =	vsub.f32 v12, v10;
	v26 =	vpop (erf);
	v13 =	vadd.f32 $9.999999710e-10, v13  }
0x150: {  	v18 =	vld [tilespmem:s18+$0x0];
	v27 =	vmax.f32 v27, v6;
	v23 =	vmul.f32 v26, v23;
	v26 =	vpop (erf);
	v22 =	vmin.f32 v22, v3  }
0x151: {  	v30 =	vadd.f32 $9.999999710e-10, v12;
	(erf) = vrcp.f32 v13;
	v13 =	vld [tilespmem:s31+$0xFFFFFFE0];
	v11 =	vmul.f32 v26, v11  }
0x152: {  	v26 =	vmax.f32 v16, $0.0e+00;
	v16 =	vmax.f32 v25, v5;
	vm9 =	vgt.f32 v23, $5.000000000e-01;
	v23 =	vld [tilespmem:s19+$0xFFFFFFF0]  }
0x153: {  	v21 =	vmax.f32 v21, v6;
	(erf) = vrcp.f32 v30;
	vm8 =	vgt.f32 v11, $5.000000000e-01  }
0x154: {  	s22 =	simm.s32 $0x1980;
	v25 =	vld [tilespmem:s17+$0x10];
	v11 =	vmax.f32 v14, $0.0e+00;
	v14 =	vsel vm8, $0xFF800000, v15;
	v15 =	vmin.f32 v29, v4  }
0x155: {  	v29 =	vsel vm9, $0xFF800000, v28;
	v28 =	vld [tilespmem:s22+$0xFFFFFFF0];
	v11 =	vmul.f32 v11, v26;
	vm8 =	vgt.f32 v14, v24  }
0x156: {  	v26 =	vld [tilespmem:s19+$0x0];
	v15 =	vsub.f32 v15, v21;
	v19 =	vmin.f32 v13, v3;
	v13 =	vmax.f32 v18, v5  }
0x157: {  	v12 =	vld [tilespmem:s22+$0xFFFFFFE0];
	v18 =	vpop (erf);
	v20 =	vsub.f32 v20, v11;
	v30 =	vsel vm8, v14, v24;
	v23 =	vmin.f32 v23, v4  }
0x158: {  	v13 =	vsub.f32 v22, v13;
	v22 =	vld [tilespmem:s18+$0x10];
	v17 =	vmul.f32 v18, v17;
	v27 =	vsub.f32 v23, v27  }
0x159: {  	v18 =	vmax.f32 v25, v6;
	vm9 =	vgt.f32 v29, v30;
	v23 =	vld [tilespmem:s31+$0x0];
	v25 =	vadd.f32 $9.999999710e-10, v20  }
0x15a: {  	v21 =	vld [tilespmem:s13+$0x0];
	v13 =	vmax.f32 v13, $0.0e+00;
	v24 =	vmax.f32 v27, $0.0e+00;
	v27 =	vadd.f32 v28, v7  }
0x15b: {  	s20 =	simm.s32 $0x1450;
	(erf) = vrcp.f32 v25;
	v25 =	vmin.f32 v26, v4;
	v26 =	vld [tilespmem:s22+$0x0];
	v20 =	vmul.f32 v13, v24  }
0x15c: {  	s14 =	simm.s32 $0x30;
	s21 =	simm.s32 $0x1480;
	s15 =	simm.s32 $0x60;
	v8 =	vimm.s32 $0x0;
	[tilespmem:s13+$0xFFFFFFE0] =	vst v14;
	v14 =	vsel vm9, v29, v30;
	v13 =	vld [tilespmem:s20+$0xFFFFFFF0]  }
0x15d: {  	s24 =	simm.s32 $0xFB0;
	s16 =	simm.s32 $0x0;
	s23 =	simm.s32 $0x90;
	[tilespmem:s13+$0xFFFFFFF0] =	vst v29;
	v24 =	vmax.f32 v15, $0.0e+00;
	v15 =	vld [tilespmem:s20+$0xFFFFFFE0];
	v28 =	vmax.f32 v22, v5;
	v22 =	vpop (erf);
	v27 =	vsub.f32 v27, v20  }
.LBB2_8:
0x15e: {  	v29 =	vld [tilespmem:s24+$0xFFFFFFF0];
	v16 =	vsub.f32 v19, v16;
	v19 =	vmin.f32 v23, v3;
	s18 =	sadd.s32 $0x30, s18;
	s19 =	sadd.s32 $0x30, s19;
	s17 =	sadd.s32 $0x30, s17;
	vm10 =	vgt.f32 v17, $5.000000000e-01  }
0x15f: {  	p0 =	slt.u32 s23, $0x4B0;
	v22 =	vmul.f32 v22, v9;
	v9 =	vmovc v20;
	s25 =	smov.u32 s23;
	s23 =	sadd.s32 $0x30, s23;
	v17 =	vld [tilespmem:s17+$0x0];
	v30 =	vadd.f32 $9.999999710e-10, v27;
	v19 =	vsub.f32 v19, v28  }
0x160: {  	v8 =	vsel vm8, s16, v8;
	s26 =	sadd.s32 $0x10, s16;
	v21 =	vsel vm10, $0xFF800000, v21;
	v20 =	vld [tilespmem:s18+$0x0];
	v16 =	vmax.f32 v16, $0.0e+00  }
0x161: {  	v8 =	vsel vm9, s26, v8;
	vm8 =	vgt.f32 v21, v14;
	v27 =	vld [tilespmem:s18+$0xFFFFFFF0];
	(erf) = vrcp.f32 v30;
	v23 =	vpop (erf);
	[tilespmem:s13+$0x0] =	vst v21;
	s13 =	smov.u32 s20;
	s20 =	smov.u32 s21  }
0x162: {  	v12 =	vadd.f32 v12, v7;
	s26 =	sadd.s32 $0x20, s16;
	s16 =	smov.u32 s14;
	s14 =	smov.u32 s15;
	v16 =	vmul.f32 v16, v24;
	v28 =	vld [tilespmem:s19+$0xFFFFFFE0];
	v24 =	vadd.f32 v26, v7  }
0x163: {  	v18 =	vsub.f32 v25, v18;
	s15 =	smov.u32 s25;
	v14 =	vsel vm8, v21, v14;
	v30 =	vmul.f32 v23, v10;
	v26 =	vld [tilespmem:s24+$0xFFFFFFE0]  }
0x164: {  	vm9 =	vgt.f32 v22, $5.000000000e-01;
	v8 =	vsel vm8, s26, v8;
	v25 =	vsub.f32 v12, v16;
	v10 =	vmovc v16;
	v21 =	vld [tilespmem:s17+$0xFFFFFFF0]  }
0x165: {  	s22 =	sadd.s32 $0x30, s22;
	v18 =	vmax.f32 v18, $0.0e+00;
	v29 =	vmin.f32 v29, v3;
	vm8 =	vgt.f32 v30, $5.000000000e-01;
	v22 =	vld [tilespmem:s19+$0xFFFFFFF0];
	v23 =	vpop (erf)  }
0x166: {  	v30 =	vmax.f32 v19, $0.0e+00;
	v25 =	vadd.f32 $9.999999710e-10, v25;
	v15 =	vsel vm8, $0xFF800000, v15;
	v12 =	vld [tilespmem:s22+$0xFFFFFFE0]  }
0x167: {  	v16 =	vmax.f32 v27, v5;
	vm8 =	vgt.f32 v15, v14;
	v27 =	vmin.f32 v28, v4;
	v28 =	vld [tilespmem:s17+$0x10];
	[tilespmem:s13+$0xFFFFFFE0] =	vst v15  }
0x168: {  	v31 =	vsel vm9, $0xFF800000, v13;
	v20 =	vmax.f32 v20, v5;
	v19 =	vmin.f32 v26, v3;
	v26 =	vld [tilespmem:s22+$0xFFFFFFF0]  }
0x169: {  	v13 =	vmax.f32 v17, v6;
	v18 =	vmul.f32 v30, v18;
	v20 =	vsub.f32 v29, v20;
	v29 =	vld [tilespmem:s18+$0x10];
	[tilespmem:s13+$0xFFFFFFF0] =	vst v31  }
0x16a: {  	v17 =	vmul.f32 v23, v11;
	v21 =	vmax.f32 v21, v6;
	v30 =	vmin.f32 v22, v4;
	v32 =	vld [tilespmem:s19+$0x0];
	v22 =	vpop (erf)  }
0x16b: {  	v24 =	vsub.f32 v24, v18;
	v11 =	vmovc v18;
	v13 =	vsub.f32 v30, v13;
	v23 =	vld [tilespmem:s24+$0x0];
	(erf) = vrcp.f32 v25  }
.Ltmp3:
0x16c: {  	v14 =	vsel vm8, v15, v14;
	v20 =	vmax.f32 v20, $0.0e+00;
	v18 =	vmax.f32 v28, v6;
	(pc) =	sbr.rel @p0 .LBB2_8-.Ltmp3, $4  }
0x16d: {  	v15 =	vsub.f32 v27, v21;
	v25 =	vadd.f32 $9.999999710e-10, v24;
	v13 =	vmax.f32 v13, $0.0e+00;
	v21 =	vld [tilespmem:s13+$0x0]  }
0x16e: {  	vm9 =	vgt.f32 v31, v14;
	v26 =	vadd.f32 v26, v7;
	v20 =	vmul.f32 v20, v13;
	v13 =	vld [tilespmem:s21+$0xFFFFFFF0]  }
0x16f: {  	v24 =	vmax.f32 v15, $0.0e+00;
	v28 =	vmax.f32 v29, v5;
	v15 =	vld [tilespmem:s21+$0xFFFFFFE0];
	(erf) = vrcp.f32 v25  }
0x170: {  	v14 =	vsel vm9, v31, v14;
	s24 =	sadd.s32 $0x30, s24;
	v25 =	vmin.f32 v32, v4;
	s21 =	sadd.s32 $0x30, s21;
	v27 =	vsub.f32 v26, v20;
	v26 =	vld [tilespmem:s22+$0x0]  }
0x171: {  	v16 =	vsub.f32 v19, v16;
	v32 =	vmin.f32 v23, v3  }
0x172: {  	v18 =	vsub.f32 v25, v18;
	v19 =	vsub.f32 v32, v28  }
0x173: {  	v12 =	vadd.f32 v12, v7;
	v16 =	vmax.f32 v16, $0.0e+00  }
0x174: {  	v18 =	vmax.f32 v18, $0.0e+00;
	v16 =	vmul.f32 v16, v24;
	v19 =	vmax.f32 v19, $0.0e+00  }
0x175: {  	v33 =	vadd.f32 v26, v7;
	v18 =	vmul.f32 v19, v18  }
0x176: {  	v12 =	vsub.f32 v12, v16  }
0x177: {  	v34 =	vadd.f32 $9.999999710e-10, v27;
	v23 =	vsub.f32 v33, v18  }
0x178: {  	v12 =	vadd.f32 $9.999999710e-10, v12  }
0x179: {  	(erf) = vrcp.f32 v34;
	v35 =	vadd.f32 $9.999999710e-10, v23  }
0x17a: {  	(erf) = vrcp.f32 v12  }
0x17b: {  	(erf) = vrcp.f32 v35;
	_ =	sdelay $0x4  }
0x17c: {  	v38 =	vld [tilespmem:s20+$0x0];
	v9 =	vmul.f32 v22, v9;
	v36 =	vpop (erf)  }
0x17d: {  	vm10 =	vgt.f32 v17, $5.000000000e-01;
	v42 =	vld [tilespmem:s21+$0xFFFFFFF0];
	v10 =	vmul.f32 v36, v10;
	v37 =	vpop (erf)  }
0x17e: {  	v40 =	vld [tilespmem:s21+$0xFFFFFFE0];
	v21 =	vsel vm10, $0xFF800000, v21;
	vm11 =	vgt.f32 v9, $5.000000000e-01;
	v41 =	vmul.f32 v37, v11;
	v39 =	vpop (erf)  }
0x17f: {  	v46 =	vld [tilespmem:s21+$0x0];
	[tilespmem:s13+$0x0] =	vst v21;
	v13 =	vsel vm11, $0xFF800000, v13;
	vm15 =	vgt.f32 v10, $5.000000000e-01;
	v47 =	vmul.f32 v39, v20;
	v43 =	vpop (erf)  }
0x180: {  	[tilespmem:s20+$0xFFFFFFF0] =	vst v13;
	v44 =	vsel vm15, $0xFF800000, v15;
	vm12 =	vgt.f32 v41, $5.000000000e-01;
	v45 =	vmul.f32 v43, v16;
	v48 =	vpop (erf)  }
0x181: {  	[tilespmem:s20+$0xFFFFFFE0] =	vst v44;
	v12 =	vsel vm12, $0xFF800000, v38;
	vm14 =	vgt.f32 v47, $5.000000000e-01;
	v49 =	vmul.f32 v48, v18  }
0x182: {  	[tilespmem:s20+$0x0] =	vst v12;
	v11 =	vsel vm14, $0xFF800000, v42;
	vm13 =	vgt.f32 v45, $5.000000000e-01  }
0x183: {  	[tilespmem:s21+$0xFFFFFFF0] =	vst v11;
	v50 =	vsel vm13, $0xFF800000, v40;
	vm15 =	vgt.f32 v49, $5.000000000e-01  }
0x184: {  	[tilespmem:s21+$0xFFFFFFE0] =	vst v50;
	v15 =	vsel vm15, $0xFF800000, v46  }
0x185: {  	[tilespmem:s21+$0x0] =	vst v15  }
0x186: {  	v51 =	vld [tilespmem:$0x4E0]  }
0x187: {  	v52 =	vld [tilespmem:$0x9E0]  }
0x188: {  	v53 =	vld [tilespmem:$0xEE0]  }
0x189: {  	v54 =	vld [tilespmem:$0x13E0];
	_ =	sdelay $0x3  }
0x18a: {  	v55 =	vld [tilespmem:$0x1DE0];
	v6 =	vmax.f32 v51, v6  }
0x18b: {  	v5 =	vmax.f32 v52, v5;
	v4 =	vmin.f32 v53, v4;
	v3 =	vmin.f32 v54, v3  }
0x18c: {  	v4 =	vsub.f32 v4, v6;
	v3 =	vsub.f32 v3, v5;
	_ =	sdelay $0x1  }
0x18d: {  	v4 =	vmax.f32 v4, $0.0e+00;
	v3 =	vmax.f32 v3, $0.0e+00  }
0x18e: {  	v56 =	vadd.f32 v55, v7;
	v3 =	vmul.f32 v3, v4;
	_ =	sdelay $0x1  }
0x18f: {  	v4 =	vsub.f32 v56, v3;
	_ =	sdelay $0x1  }
0x190: {  	v4 =	vadd.f32 $9.999999710e-10, v4;
	_ =	sdelay $0x1  }
0x191: {  	vm10 =	vgt.f32 v21, v14;
	(erf) = vrcp.f32 v4  }
0x192: {  	v57 =	vsel vm10, v21, v14  }
0x193: {  	vm11 =	vgt.f32 v44, v57  }
0x194: {  	v4 =	vsel vm11, v44, v57  }
0x195: {  	vm12 =	vgt.f32 v13, v4  }
0x196: {  	v4 =	vsel vm12, v13, v4  }
0x197: {  	vm13 =	vgt.f32 v12, v4  }
0x198: {  	v4 =	vsel vm13, v12, v4  }
0x199: {  	v58 =	vld [tilespmem:$0x18E0];
	vm14 =	vgt.f32 v50, v4  }
0x19a: {  	v4 =	vsel vm14, v50, v4;
	v59 =	vpop (erf)  }
0x19b: {  	vm15 =	vgt.f32 v11, v4;
	v3 =	vmul.f32 v59, v3  }
0x19c: {  	v4 =	vsel vm15, v11, v4  }
0x19d: {  	vm0 =	vgt.f32 v15, v4;
	vm4 =	vgt.f32 v3, $5.000000000e-01  }
0x19e: {  	v4 =	vsel vm0, v15, v4;
	v3 =	vsel vm4, $0xFF800000, v58  }
0x19f: {  	v60 =	vsel vm8, s16, v8;
	s25 =	sadd.s32 $0x10, s16;
	vm4 =	vgt.f32 v3, v4  }
0x1a0: {  	s26 =	sadd.s32 $0x20, s16;
	v5 =	vsel vm9, s25, v60;
	v4 =	vsel vm4, v3, v4  }
0x1a1: {  	v5 =	vsel vm10, s26, v5;
	(xrf0) =	vmax.scan.msk.f32 $0xffff, v4  }
0x1a2: {  	s28 =	sadd.s32 $0x10, s14;
	v5 =	vsel vm11, s14, v5  }
0x1a3: {  	s29 =	sadd.s32 $0x20, s14;
	v5 =	vsel vm12, s28, v5  }
0x1a4: {  	v5 =	vsel vm13, s29, v5  }
0x1a5: {  	s30 =	sadd.s32 $0x10, s15;
	v5 =	vsel vm14, s15, v5  }
0x1a6: {  	s31 =	sadd.s32 $0x20, s15;
	v5 =	vsel vm15, s30, v5  }
0x1a7: {  	v5 =	vsel vm0, s31, v5;
	v61, _, _ =	vpop (xrf0)  }
0x1a8: {  	v5 =	vadd.s32 v0, v5;
	v62 =	vbroadcast v61, $0xF  }
0x1a9: {  	v5 =	vxor.u32 $0x80000000, v5  }
0x1aa: {  	v63 =	vsel vm4, v1, v5;
	vm0 =	veq.f32 v4, v62  }
0x1ab: {  	v4 =	vnsel vm0, $0xC0000000, v63  }
0x1ac: {  	(xrf0) =	vmin.scan.msk.u32 $0xffff, v4;
	_ =	sdelay $0x5  }
0x1ad: {  	(v2sf) =	vpush v61, $0xF;
	v4, _, _ =	vpop (xrf0)  }
0x1ae: {  	(v2sf) =	vpush v4, $0xF;
	_ =	sdelay $0x8  }
0x1af: {  	s12 =	sadd.s32 $0x1, s12  }
0x1b0: {  	p0 =	sne.s32 s12, $0x64  }
.Ltmp4:
0x1b1: {  	_ = 	snop;
	(pc) =	sbr.rel @p0 .LBB2_7-.Ltmp4, $3  }
0x1b2: {  	_ =	sdelay $0x1  }
0x1b3: {  	s13 =	spop (v2sf)  }
0x1b4: {  	[tilespmem:$0x18E0] =	vst v3;
	s14 =	spop (v2sf)  }
0x1b5: {  	p0 =	sne.s32 s1, $0x0  }
0x1b6: {  	_ =	sfence.sel @p0 $0x180000  }
0x1b7: {  	[bflag:$0x0] =	sbarrier.arrive @p0 $0xFFFF  }
0x1b8: {  	_ =	strace @p0 $0x90000047  }
0x1b9: {  	s1 =	simm.s32 @!p0 $0x0;
	s2 =	simm.s32 @!p0 $0x1F80;
	[bflag:$0x2] =	sbarrier.arrive @p0 $0xFFFF  }
0x1ba: {  	[hbm4b:s3+s1] =	stream.linear.scatter @!p0 [tilespmem:s2], [sflag:$0x2], $0x680, $0x38;
	[tilespmem:$0x2620] =	vst v63  }
0x1bb: {  	s1 =	simm.s32 @!p0 $0x2  }
0x1bc: {  	_ =	swait.ge @!p0 [sflag:s1], $0x680  }
0x1bd: {  	[sflag:s1] =	ssyncset.done @!p0 $0x0  }
0x1be: {  	[sflag:s1] =	ssyncadd.s32 @!p0 $0xFFFFF980  }
0x1bf: {  	_ =	sfence.sel @!p0 $0x180000  }
0x1c0: {  	[bflag:$0x0] =	sbarrier.arrive @!p0 $0xFFFF  }
0x1c1: {  	_ =	strace @!p0 $0x90000047  }
0x1c2: {  	s0 =	sadd.s32 @!p0 $0x100000, s0;
	[bflag:$0x2] =	sbarrier.arrive @!p0 $0xFFFF  }
0x1c3: {  	[sflag:s0] =	ssyncadd.tile.s32 @!p0 $0x1;
	_ =	shalt  }
.Lfunc_end2:
_tile_overlayer_lowered:
.L_overlay_start_2:
0x1c4: {  	(tag) =	ssettag $0x2  }
0x1c5: {  	s0 =	rddreg [dreg:$0x0];
	s2 =	stileid.u32  }
0x1c6: {  	s1 =	rddreg [dreg:$0x1];
	p0 =	sne.s32 s2, $0x0  }
0x1c7: {  	s3 =	rddreg [dreg:$0x2];
	[bflag:$0x3] =	sbarrier.arrive $0xFFFF;
	s2 =	simm.s32 @!p0 $0x1C02  }
0x1c8: {  	[timem:s3], [sflag:s2] =	dma.local @!p0 [hbm:s0], s1  }
0x1c9: {  	s0 =	simm.s32 @!p0 $0x2  }
0x1ca: {  	_ =	swait.ge @!p0 [sflag:s0], s1  }
0x1cb: {  	s1 =	ssub.s32 @!p0 $0x0, s1;
	[sflag:s0] =	ssyncset.done @!p0 $0x0  }
0x1cc: {  	[sflag:s0] =	ssyncadd.s32 @!p0 s1  }
0x1cd: {  	[bflag:$0x3] =	sbarrier.arrive $0xFFFF  }
0x1ce: {  	_ =	shalt  }

</sc_bundles>
